<compile_context>
chip_gen: v7x
topology: tpu7x:2x2x1
jax: 0.10.2.dev20260603
libtpu: 0.0.44.dev20260713+nightly
codegen_flags: <defaults>
</compile_context>

<pallas_src>
import functools

import jax
import jax.numpy as jnp
from jax import lax
from jax.experimental import pallas as pl
from jax.experimental.pallas import tpu as pltpu
from jax.experimental.pallas import tpu_sc as plsc

N_TYPES = 17
D_HALF = 512
TM = 512
NB = 115
MP = NB * TM

_NC = 2
_NS = 16
_NW = _NC * _NS

_CHD = 56
_CPWD = 28
_CHC = 112
_CPWC = 14

_RANK_S = 128


def _dispatch(x, edge_attr, slot):
    n = x.shape[0]
    mesh = plsc.VectorSubcoreMesh(core_axis_name="c", subcore_axis_name="s")

    @functools.partial(
        pl.kernel,
        mesh=mesh,
        out_type=(
            jax.ShapeDtypeStruct((MP, D_HALF), jnp.float32),
            jax.ShapeDtypeStruct((MP, D_HALF), jnp.float32),
        ),
        scratch_types=[
            pltpu.VMEM((_CHD,), jnp.int32),
            pltpu.VMEM((_CHD,), jnp.int32),
            pltpu.VMEM((_CHD, D_HALF), jnp.float32),
            pltpu.VMEM((_CHD, D_HALF), jnp.float32),
            pltpu.VMEM((_CHD, D_HALF), jnp.float32),
            pltpu.VMEM((_CHD, D_HALF), jnp.float32),
            pltpu.SemaphoreType.DMA,
            pltpu.SemaphoreType.DMA,
            pltpu.SemaphoreType.DMA,
            pltpu.SemaphoreType.DMA,
        ],
    )
    def dispatch_kernel(x_hbm, e_hbm, idx_hbm, sx_hbm, se_hbm,
                        iv0, iv1, rx0, rx1, re0, re1, sx0, sx1, se0, se1):
        wid = lax.axis_index("s") * _NC + lax.axis_index("c")
        iv, rx, re = [iv0, iv1], [rx0, rx1], [re0, re1]
        ssx, sse = [sx0, sx1], [se0, se1]

        def step(k, _):
            for i in (0, 1):
                q = wid * _CPWD + 2 * k + i
                start = jnp.minimum(q * _CHD, n - _CHD)

                @pl.when(k > 0)
                def _():
                    pltpu.make_async_copy(rx[i], sx_hbm.at[iv[i]], ssx[i]).wait()
                    pltpu.make_async_copy(re[i], se_hbm.at[iv[i]], sse[i]).wait()

                pltpu.sync_copy(idx_hbm.at[pl.ds(start, _CHD)], iv[i])
                pltpu.sync_copy(x_hbm.at[pl.ds(start, _CHD)], rx[i])
                pltpu.sync_copy(e_hbm.at[pl.ds(start, _CHD)], re[i])
                pltpu.async_copy(rx[i], sx_hbm.at[iv[i]], ssx[i])
                pltpu.async_copy(re[i], se_hbm.at[iv[i]], sse[i])
            return ()

        lax.fori_loop(0, _CPWD // 2, step, ())
        for i in (0, 1):
            pltpu.make_async_copy(rx[i], sx_hbm.at[iv[i]], ssx[i]).wait()
            pltpu.make_async_copy(re[i], se_hbm.at[iv[i]], sse[i]).wait()

    return dispatch_kernel(x, edge_attr, slot)


def _collect(table, slot, n):
    mesh = plsc.VectorSubcoreMesh(core_axis_name="c", subcore_axis_name="s")

    @functools.partial(
        pl.kernel,
        mesh=mesh,
        out_type=jax.ShapeDtypeStruct((n, D_HALF), jnp.float32),
        scratch_types=[
            pltpu.VMEM((_CHC,), jnp.int32),
            pltpu.VMEM((_CHC,), jnp.int32),
            pltpu.VMEM((_CHC, D_HALF), jnp.float32),
            pltpu.VMEM((_CHC, D_HALF), jnp.float32),
            pltpu.SemaphoreType.DMA,
            pltpu.SemaphoreType.DMA,
            pltpu.SemaphoreType.DMA,
            pltpu.SemaphoreType.DMA,
        ],
    )
    def collect_kernel(table_hbm, idx_hbm, out_hbm,
                       iv0, iv1, rv0, rv1, g0, g1, w0, w1):
        wid = lax.axis_index("s") * _NC + lax.axis_index("c")
        iv, rv = [iv0, iv1], [rv0, rv1]
        gs, ws = [g0, g1], [w0, w1]

        def chunk_start(k, i):
            q = wid * _CPWC + 2 * k + i
            return jnp.minimum(q * _CHC, n - _CHC)

        def step(k, _):
            for i in (0, 1):
                start = chunk_start(k, i)

                @pl.when(k > 0)
                def _():
                    pltpu.make_async_copy(
                        rv[i], out_hbm.at[pl.ds(start, _CHC)], ws[i]).wait()

                pltpu.sync_copy(idx_hbm.at[pl.ds(start, _CHC)], iv[i])
                pltpu.async_copy(table_hbm.at[iv[i]], rv[i], gs[i])
            for i in (0, 1):
                start = chunk_start(k, i)
                pltpu.make_async_copy(table_hbm.at[iv[i]], rv[i], gs[i]).wait()
                pltpu.async_copy(rv[i], out_hbm.at[pl.ds(start, _CHC)], ws[i])
            return ()

        lax.fori_loop(0, _CPWC // 2, step, ())
        for i in (0, 1):
            pltpu.make_async_copy(
                rv[i], out_hbm.at[pl.ds(chunk_start(_CPWC // 2 - 1, i), _CHC)],
                ws[i]).wait()

    return collect_kernel(table, slot)


def _grouped_matmul(sx, se, block_type, W16, b):

    def mm_kernel(bt_ref, a1_ref, a2_ref, w_ref, b_ref, o_ref):
        t_id = bt_ref[pl.program_id(0)]
        w = w_ref[t_id]
        a1 = a1_ref[...].astype(jnp.bfloat16)
        a2 = a2_ref[...].astype(jnp.bfloat16)
        dn = (((1,), (1,)), ((), ()))
        acc = lax.dot_general(a1, w[:, :D_HALF], dn,
                              preferred_element_type=jnp.float32)
        acc = acc + lax.dot_general(a2, w[:, D_HALF:], dn,
                                    preferred_element_type=jnp.float32)
        o_ref[...] = jnp.maximum(acc + b_ref[t_id], 0.0)

    grid_spec = pltpu.PrefetchScalarGridSpec(
        num_scalar_prefetch=1,
        grid=(NB,),
        in_specs=[
            pl.BlockSpec((TM, D_HALF), lambda i, bt: (i, 0)),
            pl.BlockSpec((TM, D_HALF), lambda i, bt: (i, 0)),
            pl.BlockSpec((N_TYPES, D_HALF, 2 * D_HALF), lambda i, bt: (0, 0, 0)),
            pl.BlockSpec((N_TYPES, 1, D_HALF), lambda i, bt: (0, 0, 0)),
        ],
        out_specs=pl.BlockSpec((TM, D_HALF), lambda i, bt: (i, 0)),
    )
    return pl.pallas_call(
        mm_kernel,
        grid_spec=grid_spec,
        out_shape=jax.ShapeDtypeStruct((MP, D_HALF), jnp.float32),
    )(block_type, sx, se, W16, b.reshape(N_TYPES, 1, D_HALF))


def kernel(x, edge_attr, node_types, W, b):
    n = x.shape[0]
    t = node_types.astype(jnp.int32)

    nchunks = -(-n // _RANK_S)
    np2 = nchunks * _RANK_S
    t_pad = jnp.pad(t, (0, np2 - n), constant_values=N_TYPES)
    ohf = (t_pad[None, :] == jnp.arange(N_TYPES, dtype=jnp.int32)[:, None]
           ).astype(jnp.float32).reshape(N_TYPES, nchunks, _RANK_S)
    ar = jnp.arange(_RANK_S, dtype=jnp.int32)
    tri = (ar[:, None] < ar[None, :]).astype(jnp.float32)
    local_rank = lax.dot_general(
        ohf, tri, (((2,), (0,)), ((), ())),
        precision=lax.Precision.HIGHEST)
    chunk_cnt = ohf.sum(axis=2)
    chunk_base = jnp.cumsum(chunk_cnt, axis=1) - chunk_cnt
    counts = chunk_cnt.sum(axis=1).astype(jnp.int32)
    padded = ((counts + TM - 1) // TM) * TM
    pstart = (jnp.cumsum(padded) - padded).astype(jnp.float32)
    slot_f = ((local_rank + chunk_base[:, :, None]
               + pstart[:, None, None]) * ohf).sum(axis=0)
    slot = slot_f.reshape(np2).astype(jnp.int32)
    bend = (jnp.cumsum(padded) // TM).astype(jnp.int32)
    block_type = jnp.minimum(
        jnp.searchsorted(bend, jnp.arange(NB, dtype=jnp.int32), side="right"),
        N_TYPES - 1,
    ).astype(jnp.int32)

    sx, se = _dispatch(x, edge_attr, slot)

    out_sorted = _grouped_matmul(sx, se, block_type, W.astype(jnp.bfloat16), b)

    return _collect(out_sorted, slot, n)

# --- scband reference (transcript-rebuilt; emitter-appended) ---
"""Pipeline reference for scband-type-aware-node-update-24223615550199 (READ-ONLY COPY).

The authoritative reference and input builder live on the scoring server;
editing this copy changes nothing except your own understanding.
"""

import jax, jax.numpy as jnp
import numpy as np

N = 50000
D_X = 512
D_E = 512
INPUT_DIM = D_X + D_E
OUTPUT_DIM = 512
N_TYPES = 17


def setup_inputs(seed: int = 0) -> dict:
    key = jax.random.key(seed)
    k1, k2, k3, k4, k5 = jax.random.split(key, 5)
    x = jax.random.normal(k1, (N, D_X), dtype=jnp.float32)
    edge_attr = jax.random.normal(k2, (N, D_E), dtype=jnp.float32)
    node_types = jax.random.randint(k3, (N,), 0, N_TYPES, dtype=jnp.int64 if jax.config.jax_enable_x64 else jnp.int32)
    # per-type expert Linear params (17 experts): W[i]: [OUTPUT_DIM, INPUT_DIM], b[i]: [OUTPUT_DIM]
    W = jax.random.normal(k4, (N_TYPES, OUTPUT_DIM, INPUT_DIM), dtype=jnp.float32) / np.sqrt(INPUT_DIM)
    bound = 1.0 / np.sqrt(INPUT_DIM)
    b = jax.random.uniform(k5, (N_TYPES, OUTPUT_DIM), dtype=jnp.float32, minval=-bound, maxval=bound)
    return {"x": x, "edge_attr": edge_attr, "node_types": node_types, "W": W, "b": b}


def reference(x, edge_attr, node_types, W, b):
    # Faithful translation of TypeAwareNodeUpdate.forward:
    # out = zeros; for i in range(17): out[node_types==i] = relu(Linear_i(cat(x, edge_attr)[node_types==i]))
    cat = jnp.concatenate([x, edge_attr], axis=1)  # [N, INPUT_DIM]
    out = jnp.zeros((x.shape[0], W.shape[1]), dtype=jnp.float32)
    for i in range(N_TYPES):
        h = jax.nn.relu(cat @ W[i].T + b[i])  # [N, OUTPUT_DIM]
        mask = (node_types == i)[:, None]
        out = jnp.where(mask, h, out)
    return out

if __name__ == "__main__":
    import jax
    _d = setup_inputs()
    print(jax.jit(kernel)(*tuple(_d.values())))

</pallas_src>

<mosaic_0001>
#map = affine_map<(d0, d1) -> (0, 0)>
#map1 = affine_map<(d0, d1) -> (0)>
module attributes {stable_mosaic.version = 14 : i64} {
  func.func @collect_kernel(%arg0: i32, %arg1: i32, %arg2: memref<58880x512xf32, #tpu.memory_space<hbm>>, %arg3: memref<50048xi32, #tpu.memory_space<hbm>>, %arg4: memref<50000x512xf32, #tpu.memory_space<hbm>>, %arg5: memref<112xi32, #tpu.memory_space<vmem>>, %arg6: memref<112xi32, #tpu.memory_space<vmem>>, %arg7: memref<112x512xf32, #tpu.memory_space<vmem>>, %arg8: memref<112x512xf32, #tpu.memory_space<vmem>>, %arg9: memref<!tpu.dma_semaphore, #tpu.memory_space<semaphore_mem>>, %arg10: memref<!tpu.dma_semaphore, #tpu.memory_space<semaphore_mem>>, %arg11: memref<!tpu.dma_semaphore, #tpu.memory_space<semaphore_mem>>, %arg12: memref<!tpu.dma_semaphore, #tpu.memory_space<semaphore_mem>>) attributes {dimension_semantics = [#tpu.dimension_semantics<core_parallel>, #tpu.dimension_semantics<subcore_parallel>], iteration_bounds = array<i64: 2, 16>, scalar_prefetch = 0 : i64, scratch_operands = 8 : i64, tpu.core_type = #tpu.core_type<sc_vector_subcore>, window_params = [{transform_indices = #map}, {transform_indices = #map1}, {transform_indices = #map}]} {
    %mul3A = arith.constant 2 : i32
    %mul3A_0 = arith.muli %arg1, %mul3A : i32
    %add3A = arith.addi %mul3A_0, %arg0 : i32
    %scan3A = arith.constant 0 : i32
    %scan3A_1 = arith.constant 7 : i32
    %scan3A_2 = arith.addi %scan3A, %scan3A_1 : i32
    %scan3A_3 = arith.constant 1 : i32
    scf.for %scan3A_31 = %scan3A to %scan3A_2 step %scan3A_3  : i32 {
      %mul3A_32 = arith.constant 14 : i32
      %mul3A_33 = arith.muli %add3A, %mul3A_32 : i32
      %mul3A_34 = arith.constant 2 : i32
      %mul3A_35 = arith.muli %mul3A_34, %scan3A_31 : i32
      %add3A_36 = arith.addi %mul3A_33, %mul3A_35 : i32
      %add3A_37 = arith.constant 0 : i32
      %add3A_38 = arith.addi %add3A_36, %add3A_37 : i32
      %mul3A_39 = arith.constant 112 : i32
      %mul3A_40 = arith.muli %add3A_38, %mul3A_39 : i32
      %min3A_41 = arith.constant 49888 : i32
      %min3A_42 = arith.minsi %mul3A_40, %min3A_41 : i32
      %gt3A = arith.constant 0 : i32
      %gt3A_43 = arith.cmpi sgt, %scan3A_31, %gt3A : i32
      %convert_element_type3A = arith.extui %gt3A_43 : i1 to i32
      %cond3A = arith.constant 0 : i32
      %cond3A_44 = arith.cmpi ne, %convert_element_type3A, %cond3A : i32
      scf.if %cond3A_44 {
        %dma_wait3A_102 = arith.constant 0 : i32
        %dma_wait3A_103 = tpu.memref_slice %arg4[%min3A_42, %dma_wait3A_102] : memref<50000x512xf32, #tpu.memory_space<hbm>> -> memref<112x512xf32, #tpu.memory_space<hbm>>
        %dma_wait3A_104 = arith.constant 0 : i32
        %dma_wait3A_105 = tpu.memref_slice %arg4[%min3A_42, %dma_wait3A_104] : memref<50000x512xf32, #tpu.memory_space<hbm>> -> memref<112x512xf32, #tpu.memory_space<hbm>>
        tpu.wait_dma2 semaphore(%arg11 : memref<!tpu.dma_semaphore, #tpu.memory_space<semaphore_mem>>) src(%arg7 : memref<112x512xf32, #tpu.memory_space<vmem>>) dst(%dma_wait3A_105 : memref<112x512xf32, #tpu.memory_space<hbm>>)
      } else {
      }
      "tpu.region"() ({
        %run_scoped3A = tpu.sem_alloc : memref<!tpu.dma_semaphore, #tpu.memory_space<semaphore_mem>>
        %dma_start3A_102 = tpu.memref_slice %arg3[%min3A_42] : memref<50048xi32, #tpu.memory_space<hbm>> -> memref<112xi32, #tpu.memory_space<hbm>>
        %dma_start3A_103 = tpu.memref_slice %arg3[%min3A_42] : memref<50048xi32, #tpu.memory_space<hbm>> -> memref<112xi32, #tpu.memory_space<hbm>>
        tpu.enqueue_dma source(%dma_start3A_103 : memref<112xi32, #tpu.memory_space<hbm>>) target(%arg5 : memref<112xi32, #tpu.memory_space<vmem>>) target_semaphore(%run_scoped3A : memref<!tpu.dma_semaphore, #tpu.memory_space<semaphore_mem>>)
        %dma_wait3A_104 = tpu.memref_slice %arg3[%min3A_42] : memref<50048xi32, #tpu.memory_space<hbm>> -> memref<112xi32, #tpu.memory_space<hbm>>
        %dma_wait3A_105 = tpu.memref_slice %arg3[%min3A_42] : memref<50048xi32, #tpu.memory_space<hbm>> -> memref<112xi32, #tpu.memory_space<hbm>>
        tpu.wait_dma2 semaphore(%run_scoped3A : memref<!tpu.dma_semaphore, #tpu.memory_space<semaphore_mem>>) src(%dma_wait3A_105 : memref<112xi32, #tpu.memory_space<hbm>>) dst(%arg5 : memref<112xi32, #tpu.memory_space<vmem>>)
        tpu.yield
      }) : () -> ()
      %dma_start3A = arith.constant 0 : i32
      %dma_start3A_45 = arith.constant 0 : i32
      %dma_start3A_46 = tpu.memref_slice %arg2[%dma_start3A, %dma_start3A_45] : memref<58880x512xf32, #tpu.memory_space<hbm>> -> memref<58880x512xf32, #tpu.memory_space<hbm>>
      tpu.enqueue_indirect_dma source(%dma_start3A_46 : memref<58880x512xf32, #tpu.memory_space<hbm>>) target(%arg7 : memref<112x512xf32, #tpu.memory_space<vmem>>) offsets(%arg5 : memref<112xi32, #tpu.memory_space<vmem>>) semaphore(%arg9 : memref<!tpu.dma_semaphore, #tpu.memory_space<semaphore_mem>>)
      %mul3A_47 = arith.constant 14 : i32
      %mul3A_48 = arith.muli %add3A, %mul3A_47 : i32
      %mul3A_49 = arith.constant 2 : i32
      %mul3A_50 = arith.muli %mul3A_49, %scan3A_31 : i32
      %add3A_51 = arith.addi %mul3A_48, %mul3A_50 : i32
      %add3A_52 = arith.constant 1 : i32
      %add3A_53 = arith.addi %add3A_51, %add3A_52 : i32
      %mul3A_54 = arith.constant 112 : i32
      %mul3A_55 = arith.muli %add3A_53, %mul3A_54 : i32
      %min3A_56 = arith.constant 49888 : i32
      %min3A_57 = arith.minsi %mul3A_55, %min3A_56 : i32
      %gt3A_58 = arith.constant 0 : i32
      %gt3A_59 = arith.cmpi sgt, %scan3A_31, %gt3A_58 : i32
      %convert_element_type3A_60 = arith.extui %gt3A_59 : i1 to i32
      %cond3A_61 = arith.constant 0 : i32
      %cond3A_62 = arith.cmpi ne, %convert_element_type3A_60, %cond3A_61 : i32
      scf.if %cond3A_62 {
        %dma_wait3A_102 = arith.constant 0 : i32
        %dma_wait3A_103 = tpu.memref_slice %arg4[%min3A_57, %dma_wait3A_102] : memref<50000x512xf32, #tpu.memory_space<hbm>> -> memref<112x512xf32, #tpu.memory_space<hbm>>
        %dma_wait3A_104 = arith.constant 0 : i32
        %dma_wait3A_105 = tpu.memref_slice %arg4[%min3A_57, %dma_wait3A_104] : memref<50000x512xf32, #tpu.memory_space<hbm>> -> memref<112x512xf32, #tpu.memory_space<hbm>>
        tpu.wait_dma2 semaphore(%arg12 : memref<!tpu.dma_semaphore, #tpu.memory_space<semaphore_mem>>) src(%arg8 : memref<112x512xf32, #tpu.memory_space<vmem>>) dst(%dma_wait3A_105 : memref<112x512xf32, #tpu.memory_space<hbm>>)
      } else {
      }
      "tpu.region"() ({
        %run_scoped3A = tpu.sem_alloc : memref<!tpu.dma_semaphore, #tpu.memory_space<semaphore_mem>>
        %dma_start3A_102 = tpu.memref_slice %arg3[%min3A_57] : memref<50048xi32, #tpu.memory_space<hbm>> -> memref<112xi32, #tpu.memory_space<hbm>>
        %dma_start3A_103 = tpu.memref_slice %arg3[%min3A_57] : memref<50048xi32, #tpu.memory_space<hbm>> -> memref<112xi32, #tpu.memory_space<hbm>>
        tpu.enqueue_dma source(%dma_start3A_103 : memref<112xi32, #tpu.memory_space<hbm>>) target(%arg6 : memref<112xi32, #tpu.memory_space<vmem>>) target_semaphore(%run_scoped3A : memref<!tpu.dma_semaphore, #tpu.memory_space<semaphore_mem>>)
        %dma_wait3A_104 = tpu.memref_slice %arg3[%min3A_57] : memref<50048xi32, #tpu.memory_space<hbm>> -> memref<112xi32, #tpu.memory_space<hbm>>
        %dma_wait3A_105 = tpu.memref_slice %arg3[%min3A_57] : memref<50048xi32, #tpu.memory_space<hbm>> -> memref<112xi32, #tpu.memory_space<hbm>>
        tpu.wait_dma2 semaphore(%run_scoped3A : memref<!tpu.dma_semaphore, #tpu.memory_space<semaphore_mem>>) src(%dma_wait3A_105 : memref<112xi32, #tpu.memory_space<hbm>>) dst(%arg6 : memref<112xi32, #tpu.memory_space<vmem>>)
        tpu.yield
      }) : () -> ()
      %dma_start3A_63 = arith.constant 0 : i32
      %dma_start3A_64 = arith.constant 0 : i32
      %dma_start3A_65 = tpu.memref_slice %arg2[%dma_start3A_63, %dma_start3A_64] : memref<58880x512xf32, #tpu.memory_space<hbm>> -> memref<58880x512xf32, #tpu.memory_space<hbm>>
      tpu.enqueue_indirect_dma source(%dma_start3A_65 : memref<58880x512xf32, #tpu.memory_space<hbm>>) target(%arg8 : memref<112x512xf32, #tpu.memory_space<vmem>>) offsets(%arg6 : memref<112xi32, #tpu.memory_space<vmem>>) semaphore(%arg10 : memref<!tpu.dma_semaphore, #tpu.memory_space<semaphore_mem>>)
      %mul3A_66 = arith.constant 14 : i32
      %mul3A_67 = arith.muli %add3A, %mul3A_66 : i32
      %mul3A_68 = arith.constant 2 : i32
      %mul3A_69 = arith.muli %mul3A_68, %scan3A_31 : i32
      %add3A_70 = arith.addi %mul3A_67, %mul3A_69 : i32
      %add3A_71 = arith.constant 0 : i32
      %add3A_72 = arith.addi %add3A_70, %add3A_71 : i32
      %mul3A_73 = arith.constant 112 : i32
      %mul3A_74 = arith.muli %add3A_72, %mul3A_73 : i32
      %min3A_75 = arith.constant 49888 : i32
      %min3A_76 = arith.minsi %mul3A_74, %min3A_75 : i32
      %dma_wait3A_77 = arith.constant 0 : i32
      %dma_wait3A_78 = arith.constant 0 : i32
      %dma_wait3A_79 = tpu.memref_slice %arg2[%dma_wait3A_77, %dma_wait3A_78] : memref<58880x512xf32, #tpu.memory_space<hbm>> -> memref<58880x512xf32, #tpu.memory_space<hbm>>
      tpu.wait_indirect_dma semaphore(%arg9 : memref<!tpu.dma_semaphore, #tpu.memory_space<semaphore_mem>>) src(%dma_wait3A_79 : memref<58880x512xf32, #tpu.memory_space<hbm>>) dst(%arg7 : memref<112x512xf32, #tpu.memory_space<vmem>>)
      %dma_start3A_80 = arith.constant 0 : i32
      %dma_start3A_81 = tpu.memref_slice %arg4[%min3A_76, %dma_start3A_80] : memref<50000x512xf32, #tpu.memory_space<hbm>> -> memref<112x512xf32, #tpu.memory_space<hbm>>
      %dma_start3A_82 = arith.constant 0 : i32
      %dma_start3A_83 = tpu.memref_slice %arg4[%min3A_76, %dma_start3A_82] : memref<50000x512xf32, #tpu.memory_space<hbm>> -> memref<112x512xf32, #tpu.memory_space<hbm>>
      tpu.enqueue_dma source(%arg7 : memref<112x512xf32, #tpu.memory_space<vmem>>) target(%dma_start3A_83 : memref<112x512xf32, #tpu.memory_space<hbm>>) target_semaphore(%arg11 : memref<!tpu.dma_semaphore, #tpu.memory_space<semaphore_mem>>)
      %mul3A_84 = arith.constant 14 : i32
      %mul3A_85 = arith.muli %add3A, %mul3A_84 : i32
      %mul3A_86 = arith.constant 2 : i32
      %mul3A_87 = arith.muli %mul3A_86, %scan3A_31 : i32
      %add3A_88 = arith.addi %mul3A_85, %mul3A_87 : i32
      %add3A_89 = arith.constant 1 : i32
      %add3A_90 = arith.addi %add3A_88, %add3A_89 : i32
      %mul3A_91 = arith.constant 112 : i32
      %mul3A_92 = arith.muli %add3A_90, %mul3A_91 : i32
      %min3A_93 = arith.constant 49888 : i32
      %min3A_94 = arith.minsi %mul3A_92, %min3A_93 : i32
      %dma_wait3A_95 = arith.constant 0 : i32
      %dma_wait3A_96 = arith.constant 0 : i32
      %dma_wait3A_97 = tpu.memref_slice %arg2[%dma_wait3A_95, %dma_wait3A_96] : memref<58880x512xf32, #tpu.memory_space<hbm>> -> memref<58880x512xf32, #tpu.memory_space<hbm>>
      tpu.wait_indirect_dma semaphore(%arg10 : memref<!tpu.dma_semaphore, #tpu.memory_space<semaphore_mem>>) src(%dma_wait3A_97 : memref<58880x512xf32, #tpu.memory_space<hbm>>) dst(%arg8 : memref<112x512xf32, #tpu.memory_space<vmem>>)
      %dma_start3A_98 = arith.constant 0 : i32
      %dma_start3A_99 = tpu.memref_slice %arg4[%min3A_94, %dma_start3A_98] : memref<50000x512xf32, #tpu.memory_space<hbm>> -> memref<112x512xf32, #tpu.memory_space<hbm>>
      %dma_start3A_100 = arith.constant 0 : i32
      %dma_start3A_101 = tpu.memref_slice %arg4[%min3A_94, %dma_start3A_100] : memref<50000x512xf32, #tpu.memory_space<hbm>> -> memref<112x512xf32, #tpu.memory_space<hbm>>
      tpu.enqueue_dma source(%arg8 : memref<112x512xf32, #tpu.memory_space<vmem>>) target(%dma_start3A_101 : memref<112x512xf32, #tpu.memory_space<hbm>>) target_semaphore(%arg12 : memref<!tpu.dma_semaphore, #tpu.memory_space<semaphore_mem>>)
    }
    %scan3A_4 = arith.constant 7 : i32
    %mul3A_5 = arith.constant 14 : i32
    %mul3A_6 = arith.muli %add3A, %mul3A_5 : i32
    %add3A_7 = arith.constant 12 : i32
    %add3A_8 = arith.addi %mul3A_6, %add3A_7 : i32
    %add3A_9 = arith.constant 0 : i32
    %add3A_10 = arith.addi %add3A_8, %add3A_9 : i32
    %mul3A_11 = arith.constant 112 : i32
    %mul3A_12 = arith.muli %add3A_10, %mul3A_11 : i32
    %min3A = arith.constant 49888 : i32
    %min3A_13 = arith.minsi %mul3A_12, %min3A : i32
    %dma_wait3A = arith.constant 0 : i32
    %dma_wait3A_14 = tpu.memref_slice %arg4[%min3A_13, %dma_wait3A] : memref<50000x512xf32, #tpu.memory_space<hbm>> -> memref<112x512xf32, #tpu.memory_space<hbm>>
    %dma_wait3A_15 = arith.constant 0 : i32
    %dma_wait3A_16 = tpu.memref_slice %arg4[%min3A_13, %dma_wait3A_15] : memref<50000x512xf32, #tpu.memory_space<hbm>> -> memref<112x512xf32, #tpu.memory_space<hbm>>
    tpu.wait_dma2 semaphore(%arg11 : memref<!tpu.dma_semaphore, #tpu.memory_space<semaphore_mem>>) src(%arg7 : memref<112x512xf32, #tpu.memory_space<vmem>>) dst(%dma_wait3A_16 : memref<112x512xf32, #tpu.memory_space<hbm>>)
    %mul3A_17 = arith.constant 14 : i32
    %mul3A_18 = arith.muli %add3A, %mul3A_17 : i32
    %add3A_19 = arith.constant 12 : i32
    %add3A_20 = arith.addi %mul3A_18, %add3A_19 : i32
    %add3A_21 = arith.constant 1 : i32
    %add3A_22 = arith.addi %add3A_20, %add3A_21 : i32
    %mul3A_23 = arith.constant 112 : i32
    %mul3A_24 = arith.muli %add3A_22, %mul3A_23 : i32
    %min3A_25 = arith.constant 49888 : i32
    %min3A_26 = arith.minsi %mul3A_24, %min3A_25 : i32
    %dma_wait3A_27 = arith.constant 0 : i32
    %dma_wait3A_28 = tpu.memref_slice %arg4[%min3A_26, %dma_wait3A_27] : memref<50000x512xf32, #tpu.memory_space<hbm>> -> memref<112x512xf32, #tpu.memory_space<hbm>>
    %dma_wait3A_29 = arith.constant 0 : i32
    %dma_wait3A_30 = tpu.memref_slice %arg4[%min3A_26, %dma_wait3A_29] : memref<50000x512xf32, #tpu.memory_space<hbm>> -> memref<112x512xf32, #tpu.memory_space<hbm>>
    tpu.wait_dma2 semaphore(%arg12 : memref<!tpu.dma_semaphore, #tpu.memory_space<semaphore_mem>>) src(%arg8 : memref<112x512xf32, #tpu.memory_space<vmem>>) dst(%dma_wait3A_30 : memref<112x512xf32, #tpu.memory_space<hbm>>)
    return
  }
}

#map = affine_map<(d0, d1) -> (0, 0)>
#map1 = affine_map<(d0, d1) -> (0)>
module attributes {stable_mosaic.version = 14 : i64} {
  func.func @dispatch_kernel(%arg0: i32, %arg1: i32, %arg2: memref<50000x512xf32, #tpu.memory_space<hbm>>, %arg3: memref<50000x512xf32, #tpu.memory_space<hbm>>, %arg4: memref<50048xi32, #tpu.memory_space<hbm>>, %arg5: memref<58880x512xf32, #tpu.memory_space<hbm>>, %arg6: memref<58880x512xf32, #tpu.memory_space<hbm>>, %arg7: memref<56xi32, #tpu.memory_space<vmem>>, %arg8: memref<56xi32, #tpu.memory_space<vmem>>, %arg9: memref<56x512xf32, #tpu.memory_space<vmem>>, %arg10: memref<56x512xf32, #tpu.memory_space<vmem>>, %arg11: memref<56x512xf32, #tpu.memory_space<vmem>>, %arg12: memref<56x512xf32, #tpu.memory_space<vmem>>, %arg13: memref<!tpu.dma_semaphore, #tpu.memory_space<semaphore_mem>>, %arg14: memref<!tpu.dma_semaphore, #tpu.memory_space<semaphore_mem>>, %arg15: memref<!tpu.dma_semaphore, #tpu.memory_space<semaphore_mem>>, %arg16: memref<!tpu.dma_semaphore, #tpu.memory_space<semaphore_mem>>) attributes {dimension_semantics = [#tpu.dimension_semantics<core_parallel>, #tpu.dimension_semantics<subcore_parallel>], iteration_bounds = array<i64: 2, 16>, scalar_prefetch = 0 : i64, scratch_operands = 10 : i64, tpu.core_type = #tpu.core_type<sc_vector_subcore>, window_params = [{transform_indices = #map}, {transform_indices = #map}, {transform_indices = #map1}, {transform_indices = #map}, {transform_indices = #map}]} {
    %mul3A = arith.constant 2 : i32
    %mul3A_0 = arith.muli %arg1, %mul3A : i32
    %add3A = arith.addi %mul3A_0, %arg0 : i32
    %scan3A = arith.constant 0 : i32
    %scan3A_1 = arith.constant 14 : i32
    %scan3A_2 = arith.addi %scan3A, %scan3A_1 : i32
    %scan3A_3 = arith.constant 1 : i32
    scf.for %scan3A_16 = %scan3A to %scan3A_2 step %scan3A_3  : i32 {
      %mul3A_17 = arith.constant 28 : i32
      %mul3A_18 = arith.muli %add3A, %mul3A_17 : i32
      %mul3A_19 = arith.constant 2 : i32
      %mul3A_20 = arith.muli %mul3A_19, %scan3A_16 : i32
      %add3A_21 = arith.addi %mul3A_18, %mul3A_20 : i32
      %add3A_22 = arith.constant 0 : i32
      %add3A_23 = arith.addi %add3A_21, %add3A_22 : i32
      %mul3A_24 = arith.constant 56 : i32
      %mul3A_25 = arith.muli %add3A_23, %mul3A_24 : i32
      %min3A = arith.constant 49944 : i32
      %min3A_26 = arith.minsi %mul3A_25, %min3A : i32
      %gt3A = arith.constant 0 : i32
      %gt3A_27 = arith.cmpi sgt, %scan3A_16, %gt3A : i32
      %convert_element_type3A = arith.extui %gt3A_27 : i1 to i32
      %cond3A = arith.constant 0 : i32
      %cond3A_28 = arith.cmpi ne, %convert_element_type3A, %cond3A : i32
      scf.if %cond3A_28 {
        %dma_wait3A_56 = arith.constant 0 : i32
        %dma_wait3A_57 = arith.constant 0 : i32
        %dma_wait3A_58 = tpu.memref_slice %arg5[%dma_wait3A_56, %dma_wait3A_57] : memref<58880x512xf32, #tpu.memory_space<hbm>> -> memref<58880x512xf32, #tpu.memory_space<hbm>>
        tpu.wait_indirect_dma semaphore(%arg13 : memref<!tpu.dma_semaphore, #tpu.memory_space<semaphore_mem>>) src(%arg9 : memref<56x512xf32, #tpu.memory_space<vmem>>) dst(%dma_wait3A_58 : memref<58880x512xf32, #tpu.memory_space<hbm>>)
        %dma_wait3A_59 = arith.constant 0 : i32
        %dma_wait3A_60 = arith.constant 0 : i32
        %dma_wait3A_61 = tpu.memref_slice %arg6[%dma_wait3A_59, %dma_wait3A_60] : memref<58880x512xf32, #tpu.memory_space<hbm>> -> memref<58880x512xf32, #tpu.memory_space<hbm>>
        tpu.wait_indirect_dma semaphore(%arg15 : memref<!tpu.dma_semaphore, #tpu.memory_space<semaphore_mem>>) src(%arg11 : memref<56x512xf32, #tpu.memory_space<vmem>>) dst(%dma_wait3A_61 : memref<58880x512xf32, #tpu.memory_space<hbm>>)
      } else {
      }
      "tpu.region"() ({
        %run_scoped3A = tpu.sem_alloc : memref<!tpu.dma_semaphore, #tpu.memory_space<semaphore_mem>>
        %dma_start3A_56 = tpu.memref_slice %arg4[%min3A_26] : memref<50048xi32, #tpu.memory_space<hbm>> -> memref<56xi32, #tpu.memory_space<hbm>>
        %dma_start3A_57 = tpu.memref_slice %arg4[%min3A_26] : memref<50048xi32, #tpu.memory_space<hbm>> -> memref<56xi32, #tpu.memory_space<hbm>>
        tpu.enqueue_dma source(%dma_start3A_57 : memref<56xi32, #tpu.memory_space<hbm>>) target(%arg7 : memref<56xi32, #tpu.memory_space<vmem>>) target_semaphore(%run_scoped3A : memref<!tpu.dma_semaphore, #tpu.memory_space<semaphore_mem>>)
        %dma_wait3A_58 = tpu.memref_slice %arg4[%min3A_26] : memref<50048xi32, #tpu.memory_space<hbm>> -> memref<56xi32, #tpu.memory_space<hbm>>
        %dma_wait3A_59 = tpu.memref_slice %arg4[%min3A_26] : memref<50048xi32, #tpu.memory_space<hbm>> -> memref<56xi32, #tpu.memory_space<hbm>>
        tpu.wait_dma2 semaphore(%run_scoped3A : memref<!tpu.dma_semaphore, #tpu.memory_space<semaphore_mem>>) src(%dma_wait3A_59 : memref<56xi32, #tpu.memory_space<hbm>>) dst(%arg7 : memref<56xi32, #tpu.memory_space<vmem>>)
        tpu.yield
      }) : () -> ()
      "tpu.region"() ({
        %run_scoped3A = tpu.sem_alloc : memref<!tpu.dma_semaphore, #tpu.memory_space<semaphore_mem>>
        %dma_start3A_56 = arith.constant 0 : i32
        %dma_start3A_57 = tpu.memref_slice %arg2[%min3A_26, %dma_start3A_56] : memref<50000x512xf32, #tpu.memory_space<hbm>> -> memref<56x512xf32, #tpu.memory_space<hbm>>
        %dma_start3A_58 = arith.constant 0 : i32
        %dma_start3A_59 = tpu.memref_slice %arg2[%min3A_26, %dma_start3A_58] : memref<50000x512xf32, #tpu.memory_space<hbm>> -> memref<56x512xf32, #tpu.memory_space<hbm>>
        tpu.enqueue_dma source(%dma_start3A_59 : memref<56x512xf32, #tpu.memory_space<hbm>>) target(%arg9 : memref<56x512xf32, #tpu.memory_space<vmem>>) target_semaphore(%run_scoped3A : memref<!tpu.dma_semaphore, #tpu.memory_space<semaphore_mem>>)
        %dma_wait3A_60 = arith.constant 0 : i32
        %dma_wait3A_61 = tpu.memref_slice %arg2[%min3A_26, %dma_wait3A_60] : memref<50000x512xf32, #tpu.memory_space<hbm>> -> memref<56x512xf32, #tpu.memory_space<hbm>>
        %dma_wait3A_62 = arith.constant 0 : i32
        %dma_wait3A_63 = tpu.memref_slice %arg2[%min3A_26, %dma_wait3A_62] : memref<50000x512xf32, #tpu.memory_space<hbm>> -> memref<56x512xf32, #tpu.memory_space<hbm>>
        tpu.wait_dma2 semaphore(%run_scoped3A : memref<!tpu.dma_semaphore, #tpu.memory_space<semaphore_mem>>) src(%dma_wait3A_63 : memref<56x512xf32, #tpu.memory_space<hbm>>) dst(%arg9 : memref<56x512xf32, #tpu.memory_space<vmem>>)
        tpu.yield
      }) : () -> ()
      "tpu.region"() ({
        %run_scoped3A = tpu.sem_alloc : memref<!tpu.dma_semaphore, #tpu.memory_space<semaphore_mem>>
        %dma_start3A_56 = arith.constant 0 : i32
        %dma_start3A_57 = tpu.memref_slice %arg3[%min3A_26, %dma_start3A_56] : memref<50000x512xf32, #tpu.memory_space<hbm>> -> memref<56x512xf32, #tpu.memory_space<hbm>>
        %dma_start3A_58 = arith.constant 0 : i32
        %dma_start3A_59 = tpu.memref_slice %arg3[%min3A_26, %dma_start3A_58] : memref<50000x512xf32, #tpu.memory_space<hbm>> -> memref<56x512xf32, #tpu.memory_space<hbm>>
        tpu.enqueue_dma source(%dma_start3A_59 : memref<56x512xf32, #tpu.memory_space<hbm>>) target(%arg11 : memref<56x512xf32, #tpu.memory_space<vmem>>) target_semaphore(%run_scoped3A : memref<!tpu.dma_semaphore, #tpu.memory_space<semaphore_mem>>)
        %dma_wait3A_60 = arith.constant 0 : i32
        %dma_wait3A_61 = tpu.memref_slice %arg3[%min3A_26, %dma_wait3A_60] : memref<50000x512xf32, #tpu.memory_space<hbm>> -> memref<56x512xf32, #tpu.memory_space<hbm>>
        %dma_wait3A_62 = arith.constant 0 : i32
        %dma_wait3A_63 = tpu.memref_slice %arg3[%min3A_26, %dma_wait3A_62] : memref<50000x512xf32, #tpu.memory_space<hbm>> -> memref<56x512xf32, #tpu.memory_space<hbm>>
        tpu.wait_dma2 semaphore(%run_scoped3A : memref<!tpu.dma_semaphore, #tpu.memory_space<semaphore_mem>>) src(%dma_wait3A_63 : memref<56x512xf32, #tpu.memory_space<hbm>>) dst(%arg11 : memref<56x512xf32, #tpu.memory_space<vmem>>)
        tpu.yield
      }) : () -> ()
      %dma_start3A = arith.constant 0 : i32
      %dma_start3A_29 = arith.constant 0 : i32
      %dma_start3A_30 = tpu.memref_slice %arg5[%dma_start3A, %dma_start3A_29] : memref<58880x512xf32, #tpu.memory_space<hbm>> -> memref<58880x512xf32, #tpu.memory_space<hbm>>
      tpu.enqueue_indirect_dma source(%arg9 : memref<56x512xf32, #tpu.memory_space<vmem>>) target(%dma_start3A_30 : memref<58880x512xf32, #tpu.memory_space<hbm>>) offsets(%arg7 : memref<56xi32, #tpu.memory_space<vmem>>) semaphore(%arg13 : memref<!tpu.dma_semaphore, #tpu.memory_space<semaphore_mem>>)
      %dma_start3A_31 = arith.constant 0 : i32
      %dma_start3A_32 = arith.constant 0 : i32
      %dma_start3A_33 = tpu.memref_slice %arg6[%dma_start3A_31, %dma_start3A_32] : memref<58880x512xf32, #tpu.memory_space<hbm>> -> memref<58880x512xf32, #tpu.memory_space<hbm>>
      tpu.enqueue_indirect_dma source(%arg11 : memref<56x512xf32, #tpu.memory_space<vmem>>) target(%dma_start3A_33 : memref<58880x512xf32, #tpu.memory_space<hbm>>) offsets(%arg7 : memref<56xi32, #tpu.memory_space<vmem>>) semaphore(%arg15 : memref<!tpu.dma_semaphore, #tpu.memory_space<semaphore_mem>>)
      %mul3A_34 = arith.constant 28 : i32
      %mul3A_35 = arith.muli %add3A, %mul3A_34 : i32
      %mul3A_36 = arith.constant 2 : i32
      %mul3A_37 = arith.muli %mul3A_36, %scan3A_16 : i32
      %add3A_38 = arith.addi %mul3A_35, %mul3A_37 : i32
      %add3A_39 = arith.constant 1 : i32
      %add3A_40 = arith.addi %add3A_38, %add3A_39 : i32
      %mul3A_41 = arith.constant 56 : i32
      %mul3A_42 = arith.muli %add3A_40, %mul3A_41 : i32
      %min3A_43 = arith.constant 49944 : i32
      %min3A_44 = arith.minsi %mul3A_42, %min3A_43 : i32
      %gt3A_45 = arith.constant 0 : i32
      %gt3A_46 = arith.cmpi sgt, %scan3A_16, %gt3A_45 : i32
      %convert_element_type3A_47 = arith.extui %gt3A_46 : i1 to i32
      %cond3A_48 = arith.constant 0 : i32
      %cond3A_49 = arith.cmpi ne, %convert_element_type3A_47, %cond3A_48 : i32
      scf.if %cond3A_49 {
        %dma_wait3A_56 = arith.constant 0 : i32
        %dma_wait3A_57 = arith.constant 0 : i32
        %dma_wait3A_58 = tpu.memref_slice %arg5[%dma_wait3A_56, %dma_wait3A_57] : memref<58880x512xf32, #tpu.memory_space<hbm>> -> memref<58880x512xf32, #tpu.memory_space<hbm>>
        tpu.wait_indirect_dma semaphore(%arg14 : memref<!tpu.dma_semaphore, #tpu.memory_space<semaphore_mem>>) src(%arg10 : memref<56x512xf32, #tpu.memory_space<vmem>>) dst(%dma_wait3A_58 : memref<58880x512xf32, #tpu.memory_space<hbm>>)
        %dma_wait3A_59 = arith.constant 0 : i32
        %dma_wait3A_60 = arith.constant 0 : i32
        %dma_wait3A_61 = tpu.memref_slice %arg6[%dma_wait3A_59, %dma_wait3A_60] : memref<58880x512xf32, #tpu.memory_space<hbm>> -> memref<58880x512xf32, #tpu.memory_space<hbm>>
        tpu.wait_indirect_dma semaphore(%arg16 : memref<!tpu.dma_semaphore, #tpu.memory_space<semaphore_mem>>) src(%arg12 : memref<56x512xf32, #tpu.memory_space<vmem>>) dst(%dma_wait3A_61 : memref<58880x512xf32, #tpu.memory_space<hbm>>)
      } else {
      }
      "tpu.region"() ({
        %run_scoped3A = tpu.sem_alloc : memref<!tpu.dma_semaphore, #tpu.memory_space<semaphore_mem>>
        %dma_start3A_56 = tpu.memref_slice %arg4[%min3A_44] : memref<50048xi32, #tpu.memory_space<hbm>> -> memref<56xi32, #tpu.memory_space<hbm>>
        %dma_start3A_57 = tpu.memref_slice %arg4[%min3A_44] : memref<50048xi32, #tpu.memory_space<hbm>> -> memref<56xi32, #tpu.memory_space<hbm>>
        tpu.enqueue_dma source(%dma_start3A_57 : memref<56xi32, #tpu.memory_space<hbm>>) target(%arg8 : memref<56xi32, #tpu.memory_space<vmem>>) target_semaphore(%run_scoped3A : memref<!tpu.dma_semaphore, #tpu.memory_space<semaphore_mem>>)
        %dma_wait3A_58 = tpu.memref_slice %arg4[%min3A_44] : memref<50048xi32, #tpu.memory_space<hbm>> -> memref<56xi32, #tpu.memory_space<hbm>>
        %dma_wait3A_59 = tpu.memref_slice %arg4[%min3A_44] : memref<50048xi32, #tpu.memory_space<hbm>> -> memref<56xi32, #tpu.memory_space<hbm>>
        tpu.wait_dma2 semaphore(%run_scoped3A : memref<!tpu.dma_semaphore, #tpu.memory_space<semaphore_mem>>) src(%dma_wait3A_59 : memref<56xi32, #tpu.memory_space<hbm>>) dst(%arg8 : memref<56xi32, #tpu.memory_space<vmem>>)
        tpu.yield
      }) : () -> ()
      "tpu.region"() ({
        %run_scoped3A = tpu.sem_alloc : memref<!tpu.dma_semaphore, #tpu.memory_space<semaphore_mem>>
        %dma_start3A_56 = arith.constant 0 : i32
        %dma_start3A_57 = tpu.memref_slice %arg2[%min3A_44, %dma_start3A_56] : memref<50000x512xf32, #tpu.memory_space<hbm>> -> memref<56x512xf32, #tpu.memory_space<hbm>>
        %dma_start3A_58 = arith.constant 0 : i32
        %dma_start3A_59 = tpu.memref_slice %arg2[%min3A_44, %dma_start3A_58] : memref<50000x512xf32, #tpu.memory_space<hbm>> -> memref<56x512xf32, #tpu.memory_space<hbm>>
        tpu.enqueue_dma source(%dma_start3A_59 : memref<56x512xf32, #tpu.memory_space<hbm>>) target(%arg10 : memref<56x512xf32, #tpu.memory_space<vmem>>) target_semaphore(%run_scoped3A : memref<!tpu.dma_semaphore, #tpu.memory_space<semaphore_mem>>)
        %dma_wait3A_60 = arith.constant 0 : i32
        %dma_wait3A_61 = tpu.memref_slice %arg2[%min3A_44, %dma_wait3A_60] : memref<50000x512xf32, #tpu.memory_space<hbm>> -> memref<56x512xf32, #tpu.memory_space<hbm>>
        %dma_wait3A_62 = arith.constant 0 : i32
        %dma_wait3A_63 = tpu.memref_slice %arg2[%min3A_44, %dma_wait3A_62] : memref<50000x512xf32, #tpu.memory_space<hbm>> -> memref<56x512xf32, #tpu.memory_space<hbm>>
        tpu.wait_dma2 semaphore(%run_scoped3A : memref<!tpu.dma_semaphore, #tpu.memory_space<semaphore_mem>>) src(%dma_wait3A_63 : memref<56x512xf32, #tpu.memory_space<hbm>>) dst(%arg10 : memref<56x512xf32, #tpu.memory_space<vmem>>)
        tpu.yield
      }) : () -> ()
      "tpu.region"() ({
        %run_scoped3A = tpu.sem_alloc : memref<!tpu.dma_semaphore, #tpu.memory_space<semaphore_mem>>
        %dma_start3A_56 = arith.constant 0 : i32
        %dma_start3A_57 = tpu.memref_slice %arg3[%min3A_44, %dma_start3A_56] : memref<50000x512xf32, #tpu.memory_space<hbm>> -> memref<56x512xf32, #tpu.memory_space<hbm>>
        %dma_start3A_58 = arith.constant 0 : i32
        %dma_start3A_59 = tpu.memref_slice %arg3[%min3A_44, %dma_start3A_58] : memref<50000x512xf32, #tpu.memory_space<hbm>> -> memref<56x512xf32, #tpu.memory_space<hbm>>
        tpu.enqueue_dma source(%dma_start3A_59 : memref<56x512xf32, #tpu.memory_space<hbm>>) target(%arg12 : memref<56x512xf32, #tpu.memory_space<vmem>>) target_semaphore(%run_scoped3A : memref<!tpu.dma_semaphore, #tpu.memory_space<semaphore_mem>>)
        %dma_wait3A_60 = arith.constant 0 : i32
        %dma_wait3A_61 = tpu.memref_slice %arg3[%min3A_44, %dma_wait3A_60] : memref<50000x512xf32, #tpu.memory_space<hbm>> -> memref<56x512xf32, #tpu.memory_space<hbm>>
        %dma_wait3A_62 = arith.constant 0 : i32
        %dma_wait3A_63 = tpu.memref_slice %arg3[%min3A_44, %dma_wait3A_62] : memref<50000x512xf32, #tpu.memory_space<hbm>> -> memref<56x512xf32, #tpu.memory_space<hbm>>
        tpu.wait_dma2 semaphore(%run_scoped3A : memref<!tpu.dma_semaphore, #tpu.memory_space<semaphore_mem>>) src(%dma_wait3A_63 : memref<56x512xf32, #tpu.memory_space<hbm>>) dst(%arg12 : memref<56x512xf32, #tpu.memory_space<vmem>>)
        tpu.yield
      }) : () -> ()
      %dma_start3A_50 = arith.constant 0 : i32
      %dma_start3A_51 = arith.constant 0 : i32
      %dma_start3A_52 = tpu.memref_slice %arg5[%dma_start3A_50, %dma_start3A_51] : memref<58880x512xf32, #tpu.memory_space<hbm>> -> memref<58880x512xf32, #tpu.memory_space<hbm>>
      tpu.enqueue_indirect_dma source(%arg10 : memref<56x512xf32, #tpu.memory_space<vmem>>) target(%dma_start3A_52 : memref<58880x512xf32, #tpu.memory_space<hbm>>) offsets(%arg8 : memref<56xi32, #tpu.memory_space<vmem>>) semaphore(%arg14 : memref<!tpu.dma_semaphore, #tpu.memory_space<semaphore_mem>>)
      %dma_start3A_53 = arith.constant 0 : i32
      %dma_start3A_54 = arith.constant 0 : i32
      %dma_start3A_55 = tpu.memref_slice %arg6[%dma_start3A_53, %dma_start3A_54] : memref<58880x512xf32, #tpu.memory_space<hbm>> -> memref<58880x512xf32, #tpu.memory_space<hbm>>
      tpu.enqueue_indirect_dma source(%arg12 : memref<56x512xf32, #tpu.memory_space<vmem>>) target(%dma_start3A_55 : memref<58880x512xf32, #tpu.memory_space<hbm>>) offsets(%arg8 : memref<56xi32, #tpu.memory_space<vmem>>) semaphore(%arg16 : memref<!tpu.dma_semaphore, #tpu.memory_space<semaphore_mem>>)
    }
    %scan3A_4 = arith.constant 14 : i32
    %dma_wait3A = arith.constant 0 : i32
    %dma_wait3A_5 = arith.constant 0 : i32
    %dma_wait3A_6 = tpu.memref_slice %arg5[%dma_wait3A, %dma_wait3A_5] : memref<58880x512xf32, #tpu.memory_space<hbm>> -> memref<58880x512xf32, #tpu.memory_space<hbm>>
    tpu.wait_indirect_dma semaphore(%arg13 : memref<!tpu.dma_semaphore, #tpu.memory_space<semaphore_mem>>) src(%arg9 : memref<56x512xf32, #tpu.memory_space<vmem>>) dst(%dma_wait3A_6 : memref<58880x512xf32, #tpu.memory_space<hbm>>)
    %dma_wait3A_7 = arith.constant 0 : i32
    %dma_wait3A_8 = arith.constant 0 : i32
    %dma_wait3A_9 = tpu.memref_slice %arg6[%dma_wait3A_7, %dma_wait3A_8] : memref<58880x512xf32, #tpu.memory_space<hbm>> -> memref<58880x512xf32, #tpu.memory_space<hbm>>
    tpu.wait_indirect_dma semaphore(%arg15 : memref<!tpu.dma_semaphore, #tpu.memory_space<semaphore_mem>>) src(%arg11 : memref<56x512xf32, #tpu.memory_space<vmem>>) dst(%dma_wait3A_9 : memref<58880x512xf32, #tpu.memory_space<hbm>>)
    %dma_wait3A_10 = arith.constant 0 : i32
    %dma_wait3A_11 = arith.constant 0 : i32
    %dma_wait3A_12 = tpu.memref_slice %arg5[%dma_wait3A_10, %dma_wait3A_11] : memref<58880x512xf32, #tpu.memory_space<hbm>> -> memref<58880x512xf32, #tpu.memory_space<hbm>>
    tpu.wait_indirect_dma semaphore(%arg14 : memref<!tpu.dma_semaphore, #tpu.memory_space<semaphore_mem>>) src(%arg10 : memref<56x512xf32, #tpu.memory_space<vmem>>) dst(%dma_wait3A_12 : memref<58880x512xf32, #tpu.memory_space<hbm>>)
    %dma_wait3A_13 = arith.constant 0 : i32
    %dma_wait3A_14 = arith.constant 0 : i32
    %dma_wait3A_15 = tpu.memref_slice %arg6[%dma_wait3A_13, %dma_wait3A_14] : memref<58880x512xf32, #tpu.memory_space<hbm>> -> memref<58880x512xf32, #tpu.memory_space<hbm>>
    tpu.wait_indirect_dma semaphore(%arg16 : memref<!tpu.dma_semaphore, #tpu.memory_space<semaphore_mem>>) src(%arg12 : memref<56x512xf32, #tpu.memory_space<vmem>>) dst(%dma_wait3A_15 : memref<58880x512xf32, #tpu.memory_space<hbm>>)
    return
  }
}

module attributes {stable_mosaic.version = 14 : i64} {
  func.func @mm_kernel(%arg0: i32, %arg1: memref<115xi32, #tpu.memory_space<smem>>, %arg2: memref<512x512xf32, #tpu.memory_space<vmem>>, %arg3: memref<512x512xf32, #tpu.memory_space<vmem>>, %arg4: memref<17x512x1024xbf16, #tpu.memory_space<vmem>>, %arg5: memref<17x1x512xf32, #tpu.memory_space<vmem>>, %arg6: memref<512x512xf32, #tpu.memory_space<vmem>>) attributes {dimension_semantics = [#tpu.dimension_semantics<arbitrary>], iteration_bounds = array<i64: 115>, scalar_prefetch = 1 : i64, scratch_operands = 0 : i64, tpu.core_type = #tpu.core_type<tc>, window_params = [{transform_indices = @transform_0, window_bounds = array<i64: 512, 512>}, {transform_indices = @transform_1, window_bounds = array<i64: 512, 512>}, {pipeline_mode = #tpu.pipeline_mode<synchronous>, transform_indices = @transform_2, window_bounds = array<i64: 17, 512, 1024>}, {pipeline_mode = #tpu.pipeline_mode<synchronous>, transform_indices = @transform_3, window_bounds = array<i64: 17, 1, 512>}, {transform_indices = @transform_4, window_bounds = array<i64: 512, 512>}]} {
    %get3A = arith.index_cast %arg0 : i32 to index
    %get3A_0 = memref.load %arg1[%get3A] : memref<115xi32, #tpu.memory_space<smem>>
    %get3A_1 = arith.index_cast %get3A_0 : i32 to index
    %get3A_2 = arith.constant 0 : index
    %get3A_3 = arith.constant 0 : index
    %get3A_4 = vector.load %arg4[%get3A_1, %get3A_2, %get3A_3] : memref<17x512x1024xbf16, #tpu.memory_space<vmem>>, vector<1x512x1024xbf16>
    %get3A_5 = vector.shape_cast %get3A_4 : vector<1x512x1024xbf16> to vector<512x1024xbf16>
    %get3A_6 = arith.constant 0 : index
    %get3A_7 = arith.constant 0 : index
    %get3A_8 = vector.load %arg2[%get3A_6, %get3A_7] : memref<512x512xf32, #tpu.memory_space<vmem>>, vector<512x512xf32>
    %convert_element_type3A = arith.truncf %get3A_8 : vector<512x512xf32> to vector<512x512xbf16>
    %get3A_9 = arith.constant 0 : index
    %get3A_10 = arith.constant 0 : index
    %get3A_11 = vector.load %arg3[%get3A_9, %get3A_10] : memref<512x512xf32, #tpu.memory_space<vmem>>, vector<512x512xf32>
    %convert_element_type3A_12 = arith.truncf %get3A_11 : vector<512x512xf32> to vector<512x512xbf16>
    %slice3A = vector.extract_strided_slice %get3A_5 {offsets = [0, 0], sizes = [512, 512], strides = [1, 1]} : vector<512x1024xbf16> to vector<512x512xbf16>
    %dot_general3A = arith.constant dense<0.000000e+00> : vector<512x512xf32>
    %dot_general3A_13 = tpu.matmul %convert_element_type3A, %slice3A, %dot_general3A {dimension_numbers = #tpu.dot_dimension_numbers<[1], [1], [0], [0], [0, 0, 1, 0], [], []>, transpose_lhs_hint = false} : vector<512x512xbf16>, vector<512x512xbf16>, vector<512x512xf32> -> vector<512x512xf32>
    %slice3A_14 = vector.extract_strided_slice %get3A_5 {offsets = [0, 512], sizes = [512, 512], strides = [1, 1]} : vector<512x1024xbf16> to vector<512x512xbf16>
    %dot_general3A_15 = arith.constant dense<0.000000e+00> : vector<512x512xf32>
    %dot_general3A_16 = tpu.matmul %convert_element_type3A_12, %slice3A_14, %dot_general3A_15 {dimension_numbers = #tpu.dot_dimension_numbers<[1], [1], [0], [0], [0, 0, 1, 0], [], []>, transpose_lhs_hint = false} : vector<512x512xbf16>, vector<512x512xbf16>, vector<512x512xf32> -> vector<512x512xf32>
    %add3A = arith.addf %dot_general3A_13, %dot_general3A_16 : vector<512x512xf32>
    %get3A_17 = arith.index_cast %get3A_0 : i32 to index
    %get3A_18 = arith.constant 0 : index
    %get3A_19 = arith.constant 0 : index
    %get3A_20 = vector.load %arg5[%get3A_17, %get3A_18, %get3A_19] : memref<17x1x512xf32, #tpu.memory_space<vmem>>, vector<1x1x512xf32>
    %get3A_21 = vector.shape_cast %get3A_20 : vector<1x1x512xf32> to vector<1x512xf32>
    %add3A_22 = vector.broadcast %get3A_21 : vector<1x512xf32> to vector<512x512xf32>
    %add3A_23 = arith.addf %add3A, %add3A_22 : vector<512x512xf32>
    %max3A = arith.constant 0.000000e+00 : f32
    %max3A_24 = vector.broadcast %max3A : f32 to vector<512x512xf32>
    %max3A_25 = arith.maximumf %add3A_23, %max3A_24 : vector<512x512xf32>
    %swap3A = arith.constant 0 : index
    %swap3A_26 = arith.constant 0 : index
    %swap3A_27 = vector.load %arg6[%swap3A, %swap3A_26] : memref<512x512xf32, #tpu.memory_space<vmem>>, vector<512x512xf32>
    tpu.vector_store %arg6[%swap3A, %swap3A_26], %max3A_25 {strides = array<i32>} : memref<512x512xf32, #tpu.memory_space<vmem>>, vector<512x512xf32>,
    return
  }
  func.func @transform_0(%arg0: i32, %arg1: memref<115xi32, #tpu.memory_space<smem>>) -> (i32, i32) {
    %c0_i32 = arith.constant 0 : i32
    %c0_i32_0 = arith.constant 0 : i32
    return %arg0, %c0_i32 : i32, i32
  }
  func.func @transform_1(%arg0: i32, %arg1: memref<115xi32, #tpu.memory_space<smem>>) -> (i32, i32) {
    %c0_i32 = arith.constant 0 : i32
    %c0_i32_0 = arith.constant 0 : i32
    return %arg0, %c0_i32 : i32, i32
  }
  func.func @transform_2(%arg0: i32, %arg1: memref<115xi32, #tpu.memory_space<smem>>) -> (i32, i32, i32) {
    %c0_i32 = arith.constant 0 : i32
    %c0_i32_0 = arith.constant 0 : i32
    %c0_i32_1 = arith.constant 0 : i32
    %c0_i32_2 = arith.constant 0 : i32
    return %c0_i32, %c0_i32_0, %c0_i32_1 : i32, i32, i32
  }
  func.func @transform_3(%arg0: i32, %arg1: memref<115xi32, #tpu.memory_space<smem>>) -> (i32, i32, i32) {
    %c0_i32 = arith.constant 0 : i32
    %c0_i32_0 = arith.constant 0 : i32
    %c0_i32_1 = arith.constant 0 : i32
    %c0_i32_2 = arith.constant 0 : i32
    return %c0_i32, %c0_i32_0, %c0_i32_1 : i32, i32, i32
  }
  func.func @transform_4(%arg0: i32, %arg1: memref<115xi32, #tpu.memory_space<smem>>) -> (i32, i32) {
    %c0_i32 = arith.constant 0 : i32
    %c0_i32_0 = arith.constant 0 : i32
    return %arg0, %c0_i32 : i32, i32
  }
}

</mosaic_0001>

<sc_bundles>
// kernel: kernel.5.cloned.1.call-start
scs
__scs_entry_jumppad:
0x0: {  	(pc) =	sbr.rel $0x88, $3  }
0x1: {  	(tag) =	ssettag $0x0;
	lr =	simm.s32 $0x1  }
0x2: {  	[smem:$0x3F9C] =	sst lr;
	_ =	strace $0xD0000000  }
0x3: {  	_ = 	snop  }
0x4: {  	_ = 	snop  }
0x5: {  	_ = 	snop  }
0x6: {  	_ = 	snop  }
0x7: {  	_ = 	snop  }
__scs_overlays_trampoline_lowered:
0x8: {  	[smem:$0x3FAB] =	sst s0  }
0x9: {  	[smem:$0x3FAC] =	sst s1  }
0xa: {  	[smem:$0x3FAD] =	sst s2  }
0xb: {  	[smem:$0x3FAE] =	sst s3  }
0xc: {  	[smem:$0x3FAF] =	sst s4  }
0xd: {  	[smem:$0x3FB0] =	sst s5  }
0xe: {  	[smem:$0x3FB1] =	sst s6  }
0xf: {  	[smem:$0x3FB2] =	sst s7  }
0x10: {  	[smem:$0x3FB3] =	sst s8  }
0x11: {  	[smem:$0x3FB4] =	sst s9;
	s0 =	simm.s32 @!p0 $0x0  }
0x12: {  	s1 =	sld [smem:$0x3F9A];
	s0 =	simm.s32 @p0 $0x1  }
0x13: {  	[smem:$0x3FB5] =	sst s0;
	s0 =	simm.s32 @!p1 $0x0  }
0x14: {  	s2 =	sld [smem:$0x3F99];
	s0 =	simm.s32 @p1 $0x1  }
0x15: {  	[smem:$0x3FB6] =	sst s0;
	s0 =	simm.s32 @!p2 $0x0  }
0x16: {  	s3 =	sld [smem:$0x3FDB];
	s0 =	simm.s32 @p2 $0x1  }
0x17: {  	s4 =	simm.s32 $0x1BF5;
	[smem:$0x3FB8] =	sst s0  }
0x18: {  	s0 =	sld [smem:$0x3F9B];
	_ =	swait.ge [sflag:s4], $0x0  }
0x19: {  	s7 =	sld [smem:$0x3F9C]  }
0x1a: {  	s8 =	sadd.s32 $0xFFFFE003, lr  }
0x1b: {  	s9 =	sadd.s32 $0xFFFFFEF7, lr;
	s5 =	simm.s32 $0xFFFFFFFF;
	p2 =	slt.u32 s8, $0xFFFFF086  }
0x1c: {  	p1 =	slt.u32 s9, $0xF7A;
	s5 =	simm.s32 @!p2 $0x0  }
0x1d: {  	s5 =	simm.s32 @p1 $0x1;
	p0 =	seq.s32 s7, s2  }
0x1e: {  	s7 =	smul.u32 @!p0 $0xF7A, s2;
	p2 =	seq.s32 @!p0 s5, $0x0  }
0x1f: {  	s9 =	smul.u32 $0xF7A, s1;
	s8 =	simm.s32 @!p0 $0x1BF5;
	p2 =	por !p2, p0  }
0x20: {  	[sflag:s8] =	ssyncset.s32 @!p0 $0xFFFFF086;
	s6 =	sadd.s32 @!p0 s3, s7;
	s7 =	simm.s32 @!p0 $0x108  }
0x21: {  	s3 =	sadd.s32 s3, s9;
	s6 =	sadd.s32 @!p0 $0x88, s6;
	s7 =	simm.s32 @p2 $0x1082  }
0x22: {  	[simem:s7], [sflag:s8] =	dma.local @!p0 [hbm:s6], $0xF7A  }
0x23: {  	s9 =	sor.u32 $0xD0000000, s2;
	s6 =	simm.s32 $0x108;
	_ =	swait.ge @!p0 [sflag:s8], $0x0  }
0x24: {  	s3 =	sadd.s32 $0x88, s3;
	s6 =	simm.s32 @!p1 $0x1082;
	[sflag:s4] =	ssyncset.s32 $0xFFFFF086  }
0x25: {  	[simem:s6], [sflag:s4] =	dma.local [hbm:s3], $0xF7A  }
0x26: {  	[smem:$0x3F9C] =	sst s1;
	(tag) =	ssettag s2;
	_ =	strace s9  }
0x27: {  	s1 =	sld [smem:$0x3FAC]  }
0x28: {  	s2 =	sld [smem:$0x3FAD]  }
0x29: {  	s4 =	sld [smem:$0x3FAF]  }
0x2a: {  	p0 =	seq.s32 s5, $0x0;
	s5 =	sld [smem:$0x3FB0]  }
0x2b: {  	s6 =	sld [smem:$0x3FB1]  }
0x2c: {  	s7 =	sld [smem:$0x3FB2]  }
0x2d: {  	s3 =	simm.s32 $0x108;
	s8 =	sld [smem:$0x3FB3]  }
0x2e: {  	s3 =	simm.s32 @!p0 $0x1082;
	s9 =	sld [smem:$0x3FB4]  }
0x2f: {  	lr =	sadd.s32 s0, s3;
	s0 =	sld [smem:$0x3FAB]  }
0x30: {  	s3 =	sld [smem:$0x3FAE]  }
0x31: {  	[smem:$0x3FB7] =	sst s10  }
0x32: {  	s10 =	sld [smem:$0x3FB5];
	_ =	sdelay $0x3  }
0x33: {  	p0 =	seq.s32 s10, $0x1;
	s10 =	sld [smem:$0x3FB7];
	_ =	sdelay $0x3  }
0x34: {  	[smem:$0x3FB7] =	sst s10  }
0x35: {  	s10 =	sld [smem:$0x3FB6];
	_ =	sdelay $0x3  }
0x36: {  	p1 =	seq.s32 s10, $0x1;
	s10 =	sld [smem:$0x3FB7];
	_ =	sdelay $0x3  }
0x37: {  	[smem:$0x3FB7] =	sst s10  }
0x38: {  	s10 =	sld [smem:$0x3FB8]  }
0x39: {  	_ = 	snop;
	(pc) =	sbr.ind lr, $3  }
0x3a: {  	_ = 	snop  }
0x3b: {  	_ = 	snop  }
0x3c: {  	p2 =	seq.s32 s10, $0x1;
	s10 =	sld [smem:$0x3FB7]  }
0x3d: {  	_ =	shalt  }
0x3e: {  	_ =	shalt  }
0x3f: {  	_ =	shalt  }
0x40: {  	_ =	shalt  }
0x41: {  	_ =	shalt  }
0x42: {  	_ =	shalt  }
0x43: {  	_ =	shalt  }
0x44: {  	_ =	shalt  }
0x45: {  	_ =	shalt  }
0x46: {  	_ =	shalt  }
0x47: {  	_ =	shalt  }
0x48: {  	_ =	shalt  }
0x49: {  	_ =	shalt  }
0x4a: {  	_ =	shalt  }
0x4b: {  	_ =	shalt  }
0x4c: {  	_ =	shalt  }
0x4d: {  	_ =	shalt  }
0x4e: {  	_ =	shalt  }
0x4f: {  	_ =	shalt  }
0x50: {  	_ =	shalt  }
0x51: {  	_ =	shalt  }
0x52: {  	_ =	shalt  }
0x53: {  	_ =	shalt  }
0x54: {  	_ =	shalt  }
0x55: {  	_ =	shalt  }
0x56: {  	_ =	shalt  }
0x57: {  	_ =	shalt  }
0x58: {  	_ =	shalt  }
0x59: {  	_ =	shalt  }
0x5a: {  	_ =	shalt  }
0x5b: {  	_ =	shalt  }
0x5c: {  	_ =	shalt  }
0x5d: {  	_ =	shalt  }
0x5e: {  	_ =	shalt  }
0x5f: {  	_ =	shalt  }
0x60: {  	_ =	shalt  }
0x61: {  	_ =	shalt  }
0x62: {  	_ =	shalt  }
0x63: {  	_ =	shalt  }
0x64: {  	_ =	shalt  }
0x65: {  	_ =	shalt  }
0x66: {  	_ =	shalt  }
0x67: {  	_ =	shalt  }
0x68: {  	_ =	shalt  }
0x69: {  	_ =	shalt  }
0x6a: {  	_ =	shalt  }
0x6b: {  	_ =	shalt  }
0x6c: {  	_ =	shalt  }
0x6d: {  	_ =	shalt  }
0x6e: {  	_ =	shalt  }
0x6f: {  	_ =	shalt  }
0x70: {  	_ =	shalt  }
0x71: {  	_ =	shalt  }
0x72: {  	_ =	shalt  }
0x73: {  	_ =	shalt  }
0x74: {  	_ =	shalt  }
0x75: {  	_ =	shalt  }
0x76: {  	_ =	shalt  }
0x77: {  	_ =	shalt  }
0x78: {  	_ =	shalt  }
0x79: {  	_ =	shalt  }
0x7a: {  	_ =	shalt  }
0x7b: {  	_ =	shalt  }
0x7c: {  	_ =	shalt  }
0x7d: {  	_ =	shalt  }
0x7e: {  	_ =	shalt  }
0x7f: {  	_ =	shalt  }
0x80: {  	_ =	shalt  }
0x81: {  	_ =	shalt  }
0x82: {  	_ =	shalt  }
0x83: {  	_ =	shalt  }
0x84: {  	_ =	shalt  }
0x85: {  	_ =	shalt  }
0x86: {  	_ =	shalt  }
0x87: {  	_ =	shalt  }
.Lfunc_end0:
.L_simem_size_0:
called_computation_lowered:
.L_overlay_start_0:
0x88: {  	s2 =	sld [smem:$0x3FD9]  }
0x89: {  	s3 =	sld [smem:$0x3FFE];
	_ =	sdelay $0x1  }
0x8a: {  	s1 =	srdreg.scid  }
0x8b: {  	s0 =	sand.u32 $0x1, s1  }
0x8c: {  	s17 =	sshll.u32 s0, $0xA;
	s2 =	sadd.s32 s3, s2  }
0x8d: {  	s2 =	sadd.s32 s2, s17  }
0x8e: {  	[smem:$0x3FC3] =	sst s2  }
0x8f: {  	_ = 	snop  }
0x90: {  	s2 =	sld [smem:$0x3FC9]  }
0x91: {  	s18 =	sld [smem:$0x3FC8];
	(tm) =	ssettm $0x1  }
0x92: {  	s4 =	sld [smem:$0x3FFB];
	_ =	sdelay $0x3  }
0x93: {  	_ =	strace s4  }
0x94: {  	s4 =	sld [smem:$0x3FFC];
	_ =	sdelay $0x3  }
0x95: {  	_ =	strace s4  }
0x96: {  	s4 =	sld [smem:$0x3FFD];
	_ =	sdelay $0x3  }
0x97: {  	_ =	strace s4  }
0x98: {  	_ =	strace $0x8FFFFFFF  }
0x99: {  	s19 =	sld [smem:$0x3FDB];
	_ =	sdelay $0x1  }
0x9a: {  	s5 =	simm.s32 $_scs_section_size  }
0x9b: {  	s6 =	simm.s32 $_size__tile_overlayer_lowered;
	s7 =	simm.s32 $_tile_overlayer_lowered  }
0x9c: {  	s22 =	simm.s32 $0x1BFF;
	s21 =	sshll.u32 s7, $0x1;
	s4 =	sadd.s32 s5, s19  }
0x9d: {  	s8 =	simm.s32 $0x0;
	s20 =	sshll.u32 s6, $0x1;
	s6 =	sadd.s32 s21, s4  }
0x9e: {  	[timem:s8], [sflag:s22] =	dma.local [hbm:s6], s20  }
0x9f: {  	_ =	swait.ge [sflag:s22], s20  }
0xa0: {  	s5 =	ssub.s32 $0x0, s20;
	[sflag:s22] =	ssyncset.done $0x0  }
0xa1: {  	[sflag:s22] =	ssyncadd.s32 s5;
	_ =	sdelay $0x1  }
0xa2: {  	s23 =	simm.s32 $0x1B8B  }
0xa3: {  	_ =	swait.ge [sflag:s23], $0x1  }
0xa4: {  	[sflag:s23] =	ssyncset.done $0x0  }
0xa5: {  	s25 =	simm.s32 $0x1B8E;
	s24 =	sld [smem:$0x3FFE];
	[sflag:s23] =	ssyncadd.s32 $0xFFFFFFFF  }
0xa6: {  	s26 =	simm.s32 $execute0_lowered;
	[smem:$0x3FD2] =	sst s25  }
0xa7: {  	s6 =	sshll.u32 s26, $0x1;
	_ =	strace $0x80000046;
	[dreg:$0x1] =	wrdreg $0xFFFFFFFF  }
0xa8: {  	s28 =	simm.s32 $_size_execute0_lowered;
	s4 =	sadd.s32 s4, s6;
	[dreg:$0x0] =	wrdreg $0x0  }
0xa9: {  	s6 =	sshll.u32 s28, $0x1;
	[dreg:$0x2] =	wrdreg s4  }
0xaa: {  	[dreg:$0x3] =	wrdreg s6  }
0xab: {  	[dreg:$0x4] =	wrdreg $0xC0  }
0xac: {  	_ =	task [dreg:s8], $0x5FFFF  }
0xad: {  	[dreg:$0x1] =	wrdreg $0xFFFFFFFF  }
0xae: {  	[dreg:$0x0] =	wrdreg $0x60  }
0xaf: {  	[dreg:$0x2] =	wrdreg s2  }
0xb0: {  	[dreg:$0x3] =	wrdreg s18  }
0xb1: {  	[dreg:$0x4] =	wrdreg s24  }
0xb2: {  	[dreg:$0x5] =	wrdreg $0x9  }
0xb3: {  	_ =	task.clear_ibuf [dreg:s8], $0x6FFFF;
	_ =	strace $0x90000046  }
0xb4: {  	s29 =	simm.s32 $0x9;
	_ =	strace $0x80000048  }
0xb5: {  	_ =	swait.ge [sflag:s29], $0x1  }
0xb6: {  	[sflag:s29] =	ssyncadd.s32 $0xFFFFFFFF  }
0xb7: {  	_ =	strace $0x90000048  }
0xb8: {  	_ =	sfence  }
0xb9: {  	s30 =	sld [smem:$0x0];
	_ =	sdelay $0x2  }
0xba: {  	s31 =	sshll.u32 s1, $0xD;
	s1 =	sshrl.u32 s1, $0x2  }
0xbb: {  	s3 =	sand.u32 $0x4000, s31;
	s1 =	sadd.s32 s1, s30  }
0xbc: {  	s0 =	sor.u32 s3, s0;
	s1 =	sshll.u32 s1, $0x11  }
0xbd: {  	s0 =	sor.u32 s1, s0  }
0xbe: {  	s0 =	sadd.s32 $0x8F2B, s0  }
0xbf: {  	[sflag:s0] =	ssyncadd.remote.s32 $0x1  }
0xc0: {  	_ =	sfence.sel $0xFFFF  }
0xc1: {  	[dreg:$0x0] =	wrdreg $0xFFFFFFFF;
	(pc) =	sbr.abs _section_cstart, $3  }
0xc2: {  	[dreg:$0x1] =	wrdreg $0xFFFFFFFF  }
0xc3: {  	_ =	task.clear_ibuf [dreg:s8], $0x2FFFF;
	_ =	strace $0x9FFFFFFF  }
0xc4: {  	(tm) =	ssettm $0x7FFFFFFF  }
0xc5: {  	_ =	shalt  }
tec
execute0_lowered:
.L_overlay_start_1:
0x0: {  	(tag) =	ssettag $0x1  }
0x1: {  	s1 =	rddreg [dreg:$0x0]  }
0x2: {  	s3 =	rddreg [dreg:$0x1]  }
0x3: {  	s2 =	srdreg.scid;
	s9 =	rddreg [dreg:$0x2]  }
0x4: {  	s4 =	simm.s32 $0x0;
	s8 =	sand.u32 $0x1, s2;
	s2 =	rddreg [dreg:$0x3]  }
0x5: {  	s7 =	simm.s32 $0x1100;
	[smem:$0x7FF] =	sst s4  }
0x6: {  	s10 =	simm.s32 $0x1900;
	_ =	strace $0x80000047;
	[dreg:$0x6] =	wrdreg s7  }
0x7: {  	s11 =	simm.s32 $0x2100;
	[dreg:$0x7] =	wrdreg s10  }
0x8: {  	s12 =	simm.s32 $0x2900;
	[dreg:$0x8] =	wrdreg s11  }
0x9: {  	s13 =	simm.s32 $0x3100;
	[dreg:$0x9] =	wrdreg s12  }
0xa: {  	s14 =	simm.s32 $0x3900;
	[dreg:$0xa] =	wrdreg s13  }
0xb: {  	s15 =	simm.s32 $0x4100;
	[dreg:$0xb] =	wrdreg s14  }
0xc: {  	s16 =	simm.s32 $0x4900;
	[dreg:$0xc] =	wrdreg s15  }
0xd: {  	s17 =	simm.s32 $0x5100;
	[dreg:$0xd] =	wrdreg s16  }
0xe: {  	s18 =	simm.s32 $0x5900;
	[dreg:$0xe] =	wrdreg s17  }
0xf: {  	s19 =	simm.s32 $0x6100;
	[dreg:$0xf] =	wrdreg s18  }
0x10: {  	s20 =	simm.s32 $0x6900;
	[dreg:$0x10] =	wrdreg s19  }
0x11: {  	s21 =	simm.s32 $0xE900;
	[dreg:$0x11] =	wrdreg s20  }
0x12: {  	s22 =	simm.s32 $0xF100;
	[dreg:$0x12] =	wrdreg s21  }
0x13: {  	s23 =	simm.s32 $0xF900;
	[dreg:$0x13] =	wrdreg s22  }
0x14: {  	s24 =	simm.s32 $0x10100;
	[dreg:$0x14] =	wrdreg s23  }
0x15: {  	s25 =	simm.s32 $0x10900;
	[dreg:$0x15] =	wrdreg s24  }
0x16: {  	s26 =	simm.s32 $0x11100;
	[dreg:$0x16] =	wrdreg s25  }
0x17: {  	s28 =	simm.s32 $0x11900;
	[dreg:$0x17] =	wrdreg s26  }
0x18: {  	s29 =	simm.s32 $0x12100;
	[dreg:$0x18] =	wrdreg s28  }
0x19: {  	s30 =	simm.s32 $0x12900;
	[dreg:$0x19] =	wrdreg s29  }
0x1a: {  	s31 =	simm.s32 $0x13100;
	[dreg:$0x1a] =	wrdreg s30  }
0x1b: {  	[dreg:$0x1b] =	wrdreg s31;
	s7 =	simm.s32 $0x14100  }
0x1c: {  	s10 =	simm.s32 $0x14900;
	[dreg:$0x1d] =	wrdreg s7  }
0x1d: {  	s11 =	simm.s32 $0x80;
	[dreg:$0x1e] =	wrdreg s10  }
0x1e: {  	s12 =	simm.s32 $0x7900;
	[dreg:$0x1f] =	wrdreg s11  }
0x1f: {  	s13 =	simm.s32 $0x8100;
	[smem:$0x7E5] =	sst s12  }
0x20: {  	s14 =	simm.s32 $0x8900;
	[smem:$0x7E6] =	sst s13  }
0x21: {  	s15 =	simm.s32 $0x9100;
	[smem:$0x7E7] =	sst s14  }
0x22: {  	s16 =	simm.s32 $0x9900;
	[smem:$0x7E8] =	sst s15  }
0x23: {  	s17 =	simm.s32 $0xA100;
	[smem:$0x7E9] =	sst s16  }
0x24: {  	s18 =	simm.s32 $0xA900;
	[smem:$0x7EA] =	sst s17  }
0x25: {  	s19 =	simm.s32 $0xB100;
	[smem:$0x7EB] =	sst s18  }
0x26: {  	s20 =	simm.s32 $0xB900;
	[smem:$0x7EC] =	sst s19  }
0x27: {  	s21 =	simm.s32 $0xC100;
	[smem:$0x7ED] =	sst s20  }
0x28: {  	s22 =	simm.s32 $0xC900;
	[smem:$0x7EE] =	sst s21  }
0x29: {  	s23 =	simm.s32 $0xD100;
	[smem:$0x7EF] =	sst s22  }
0x2a: {  	s24 =	simm.s32 $0xD900;
	[smem:$0x7F0] =	sst s23  }
0x2b: {  	s0 =	stileid.u32;
	s25 =	simm.s32 $0x16900;
	[smem:$0x7F1] =	sst s24  }
0x2c: {  	s5 =	smul.u32 $0xC40, s0;
	s26 =	simm.s32 $0x17100;
	[smem:$0x7F4] =	sst s25  }
0x2d: {  	s6 =	smul.u32 $0x620, s8;
	s28 =	simm.s32 $0x17900;
	[smem:$0x7F5] =	sst s26  }
0x2e: {  	s8 =	ssub.s32 $0x2, s8;
	s29 =	simm.s32 $0x18100;
	[smem:$0x7F6] =	sst s28  }
0x2f: {  	s30 =	simm.s32 $0x18900;
	s31 =	simm.s32 $0x19900;
	[smem:$0x7F7] =	sst s29  }
0x30: {  	s7 =	simm.s32 $0x15900;
	s10 =	simm.s32 $0x16100;
	[smem:$0x7F8] =	sst s30  }
0x31: {  	s11 =	sshrl.u32 s8, $0x1;
	s12 =	simm.s32 $0x19100;
	[smem:$0x7FA] =	sst s31  }
0x32: {  	s13 =	simm.s32 $0x1A100;
	s14 =	simm.s32 $0x1A900;
	s16 =	simm.s32 $0x1B100  }
0x33: {  	s15 =	simm.s32 $0x15100;
	s17 =	simm.s32 $0x1;
	[smem:$0x7F2] =	sst s7  }
0x34: {  	s18 =	simm.s32 $0x3;
	s19 =	simm.s32 $0x2;
	[smem:$0x7F3] =	sst s10  }
0x35: {  	s20 =	simm.s32 $0x4;
	s21 =	simm.s32 $0x0;
	[smem:$0x7F9] =	sst s12  }
0x36: {  	s5 =	sadd.s32 s6, s5;
	s6 =	simm.s32 $0x900;
	[smem:$0x7FB] =	sst s13  }
0x37: {  	s7 =	sadd.s32 $0x399C00, s9;
	s11 =	ssub.s32 s8, s11;
	[smem:$0x7FC] =	sst s14  }
0x38: {  	s8 =	sadd.s32 $0x1D00, s9;
	s12 =	simm.s32 $0x100;
	[smem:$0x7FD] =	sst s16  }
0x39: {  	s13 =	simm.s32 $0xE100;
	s14 =	simm.s32 $0x7100;
	[dreg:$0x4] =	wrdreg s5  }
0x3a: {  	v2 =	vlaneseq.u32;
	s16 =	simm.s32 $0x1B900;
	[dreg:$0x5] =	wrdreg s6;
	s6 =	simm.s32 $0x13900  }
0x3b: {  	vm0 =	vmmov $0xffff;
	v1 =	vshrl.u32 v2, $0x3;
	s5 =	sadd.s32 $0x200, s9;
	s10 =	smax.u32 s11, $0x1;
	s11 =	simm.s32 $0x5  }
0x3c: {  	v0 =	vand.u32 $0x7, v2;
	v2 =	vor.u32 $0x8, v2;
	v1 =	vmul.u32 $0x8, v1;
	[dreg:$0x1c] =	wrdreg s6;
	s6 =	sadd.s32 $0x1C00, s9;
	s9 =	sadd.s32 $0x399D00, s9  }
.LBB2_1:
0x3d: {  	s22 =	simm.s32 $0x0  }
.LBB2_2:
0x3e: {  	p0 =	seq.s32 s22, $0x0  }
0x3f: {  	s24 =	simm.s32 @!p0 $0x1  }
0x40: {  	s23 =	rddreg [dreg:$0x4];
	_ =	swait.ge @!p0 [sflag:s24], $0x7000  }
0x41: {  	[sflag:s24] =	ssyncset.done @!p0 $0x0  }
0x42: {  	s23 =	sadd.s32 s22, s23;
	[sflag:s24] =	ssyncadd.s32 @!p0 $0xFFFF9000;
	s24 =	simm.s32 @!p0 $0x3  }
0x43: {  	s25 =	smin.u32 s23, $0xC318;
	_ =	swait.ge @!p0 [sflag:s24], $0x7000  }
0x44: {  	s26 =	sshrl.u32 s25, $0x3;
	[sflag:s24] =	ssyncset.done @!p0 $0x0  }
0x45: {  	s28 =	sadd.s32 s5, s26;
	[sflag:s24] =	ssyncadd.s32 @!p0 $0xFFFF9000  }
0x46: {  	[tilespmem:s4], [sflag:$0x5] =	stream.linear.gather [hbm4b:s28+s4], $0x38, $0x38;
	[tilespmem:$0x1C100] =	vst v63  }
0x47: {  	_ =	swait.ge [sflag:s11], $0x38  }
0x48: {  	s29 =	sshll.u32 s25, $0x6;
	[sflag:s11] =	ssyncset.done $0x0  }
0x49: {  	s25 =	sadd.s32 s1, s29;
	[sflag:s11] =	ssyncadd.s32 $0xFFFFFFC8  }
0x4a: {  	[tilespmem:s12], [sflag:$0x5] =	stream.linear.gather [hbm4b:s25+s4], $0x7000, $0x38;
	[tilespmem:$0x1C100] =	vst v63  }
0x4b: {  	_ =	swait.ge [sflag:s11], $0x7000  }
0x4c: {  	[sflag:s11] =	ssyncset.done $0x0  }
0x4d: {  	s24 =	sadd.s32 s3, s29;
	[sflag:s11] =	ssyncadd.s32 $0xFFFF9000  }
0x4e: {  	[tilespmem:s13], [sflag:$0x5] =	stream.linear.gather [hbm4b:s24+s4], $0x7000, $0x38;
	[tilespmem:$0x1C100] =	vst v63  }
0x4f: {  	_ =	swait.ge [sflag:s11], $0x7000  }
0x50: {  	[sflag:s11] =	ssyncset.done $0x0  }
0x51: {  	[sflag:s11] =	ssyncadd.s32 $0xFFFF9000  }
0x52: {  	v3 =	vld [tilespmem:$0x0];
	_ =	sdelay $0x4  }
0x53: {  	v4 =	vshll.u32 v3, $0x2  }
0x54: {  	v3 =	vand.u32 $0x7, v3;
	v4 =	vand.u32 $0xFFFFFFE0, v4  }
0x55: {  	v3 =	vor.u32 v3, v4  }
0x56: {  	v4 =	vperm.xlane v3, v0;
	_ =	sdelay $0x1  }
0x57: {  	v4 =	vadd.s32 v1, v4;
	_ =	sdelay $0x1  }
0x58: {  	v3 =	vperm.xlane v3, v2;
	_ =	sdelay $0x1  }
0x59: {  	v3 =	vadd.s32 v1, v3  }
0x5a: {  	[hbm4b:s6+s4] =	stream.indirect_vreg.scatter [tilespmem:s12], [sflag:$0x1], $0x80, v4, vm0, $0xb8;
	[tilespmem:$0x1C100] =	vst v63  }
0x5b: {  	s30 =	rddreg [dreg:$0x5]  }
0x5c: {  	[hbm4b:s8+s4] =	stream.indirect_vreg.scatter [tilespmem:s30], [sflag:$0x1], $0x80, v4, vm0, $0xb8;
	[tilespmem:$0x1C100] =	vst v63  }
0x5d: {  	s31 =	rddreg [dreg:$0x6]  }
0x5e: {  	[hbm4b:s6+s4] =	stream.indirect_vreg.scatter [tilespmem:s31], [sflag:$0x1], $0x80, v3, vm0, $0xb8;
	[tilespmem:$0x1C100] =	vst v63  }
0x5f: {  	s26 =	rddreg [dreg:$0x7]  }
0x60: {  	[hbm4b:s8+s4] =	stream.indirect_vreg.scatter [tilespmem:s26], [sflag:$0x1], $0x80, v3, vm0, $0xb8;
	[tilespmem:$0x1C100] =	vst v63  }
0x61: {  	v3 =	vld [tilespmem:$0x10];
	_ =	sdelay $0x4  }
0x62: {  	v49 =	vshll.u32 v3, $0x2  }
0x63: {  	v3 =	vand.u32 $0x7, v3;
	v4 =	vand.u32 $0xFFFFFFE0, v49  }
0x64: {  	v3 =	vor.u32 v3, v4  }
0x65: {  	v4 =	vperm.xlane v3, v0;
	_ =	sdelay $0x1  }
0x66: {  	v4 =	vadd.s32 v1, v4;
	_ =	sdelay $0x1  }
0x67: {  	v3 =	vperm.xlane v3, v2;
	_ =	sdelay $0x1  }
0x68: {  	s28 =	rddreg [dreg:$0x8];
	v3 =	vadd.s32 v1, v3  }
0x69: {  	[hbm4b:s6+s4] =	stream.indirect_vreg.scatter [tilespmem:s28], [sflag:$0x1], $0x80, v4, vm0, $0xb8;
	[tilespmem:$0x1C100] =	vst v63  }
0x6a: {  	s29 =	rddreg [dreg:$0x9]  }
0x6b: {  	[hbm4b:s8+s4] =	stream.indirect_vreg.scatter [tilespmem:s29], [sflag:$0x1], $0x80, v4, vm0, $0xb8;
	[tilespmem:$0x1C100] =	vst v63  }
0x6c: {  	s30 =	rddreg [dreg:$0xa]  }
0x6d: {  	[hbm4b:s6+s4] =	stream.indirect_vreg.scatter [tilespmem:s30], [sflag:$0x1], $0x80, v3, vm0, $0xb8;
	[tilespmem:$0x1C100] =	vst v63  }
0x6e: {  	s31 =	rddreg [dreg:$0xb]  }
0x6f: {  	[hbm4b:s8+s4] =	stream.indirect_vreg.scatter [tilespmem:s31], [sflag:$0x1], $0x80, v3, vm0, $0xb8;
	[tilespmem:$0x1C100] =	vst v63  }
0x70: {  	v3 =	vld [tilespmem:$0x20];
	_ =	sdelay $0x4  }
0x71: {  	v50 =	vshll.u32 v3, $0x2  }
0x72: {  	v3 =	vand.u32 $0x7, v3;
	v4 =	vand.u32 $0xFFFFFFE0, v50  }
0x73: {  	v3 =	vor.u32 v3, v4  }
0x74: {  	v4 =	vperm.xlane v3, v0;
	_ =	sdelay $0x1  }
0x75: {  	v4 =	vadd.s32 v1, v4;
	_ =	sdelay $0x1  }
0x76: {  	v3 =	vperm.xlane v3, v2;
	_ =	sdelay $0x1  }
0x77: {  	s25 =	rddreg [dreg:$0xc];
	v3 =	vadd.s32 v1, v3  }
0x78: {  	[hbm4b:s6+s4] =	stream.indirect_vreg.scatter [tilespmem:s25], [sflag:$0x1], $0x80, v4, vm0, $0xb8;
	[tilespmem:$0x1C100] =	vst v63  }
0x79: {  	s26 =	rddreg [dreg:$0xd]  }
0x7a: {  	[hbm4b:s8+s4] =	stream.indirect_vreg.scatter [tilespmem:s26], [sflag:$0x1], $0x80, v4, vm0, $0xb8;
	[tilespmem:$0x1C100] =	vst v63  }
0x7b: {  	s28 =	rddreg [dreg:$0xe]  }
0x7c: {  	[hbm4b:s6+s4] =	stream.indirect_vreg.scatter [tilespmem:s28], [sflag:$0x1], $0x80, v3, vm0, $0xb8;
	[tilespmem:$0x1C100] =	vst v63  }
0x7d: {  	s29 =	rddreg [dreg:$0xf]  }
0x7e: {  	[hbm4b:s8+s4] =	stream.indirect_vreg.scatter [tilespmem:s29], [sflag:$0x1], $0x80, v3, vm0, $0xb8;
	[tilespmem:$0x1C100] =	vst v63  }
0x7f: {  	v3 =	vld.msk [tilespmem:$0x30], $0xff;
	_ =	sdelay $0x4  }
0x80: {  	v51 =	vshll.u32 v3, $0x2  }
0x81: {  	v3 =	vand.u32 $0x7, v3;
	v4 =	vand.u32 $0xFFFFFFE0, v51  }
0x82: {  	v3 =	vor.u32 v3, v4  }
0x83: {  	v3 =	vperm.xlane v3, v0;
	_ =	sdelay $0x1  }
0x84: {  	v3 =	vadd.s32 v1, v3;
	_ =	sdelay $0x3  }
0x85: {  	s30 =	rddreg [dreg:$0x10]  }
0x86: {  	[hbm4b:s6+s4] =	stream.indirect_vreg.scatter [tilespmem:s30], [sflag:$0x1], $0x80, v3, vm0, $0xb8;
	[tilespmem:$0x1C100] =	vst v63  }
0x87: {  	s31 =	rddreg [dreg:$0x11]  }
0x88: {  	[hbm4b:s8+s4] =	stream.indirect_vreg.scatter [tilespmem:s31], [sflag:$0x1], $0x80, v3, vm0, $0xb8;
	[tilespmem:$0x1C100] =	vst v63  }
0x89: {  	v3 =	vld [tilespmem:$0x0];
	_ =	sdelay $0x4  }
0x8a: {  	v52 =	vshll.u32 v3, $0x2  }
0x8b: {  	v3 =	vand.u32 $0x7, v3;
	v4 =	vand.u32 $0xFFFFFFE0, v52  }
0x8c: {  	v3 =	vor.u32 v3, v4  }
0x8d: {  	v4 =	vperm.xlane v3, v0;
	_ =	sdelay $0x1  }
0x8e: {  	v4 =	vadd.s32 v1, v4;
	_ =	sdelay $0x1  }
0x8f: {  	v3 =	vperm.xlane v3, v2;
	_ =	sdelay $0x1  }
0x90: {  	v3 =	vadd.s32 v1, v3  }
0x91: {  	[hbm4b:s7+s4] =	stream.indirect_vreg.scatter [tilespmem:s13], [sflag:$0x3], $0x80, v4, vm0, $0xb8;
	[tilespmem:$0x1C100] =	vst v63  }
0x92: {  	s25 =	rddreg [dreg:$0x12]  }
0x93: {  	[hbm4b:s9+s4] =	stream.indirect_vreg.scatter [tilespmem:s25], [sflag:$0x3], $0x80, v4, vm0, $0xb8;
	[tilespmem:$0x1C100] =	vst v63  }
0x94: {  	s26 =	rddreg [dreg:$0x13]  }
0x95: {  	[hbm4b:s7+s4] =	stream.indirect_vreg.scatter [tilespmem:s26], [sflag:$0x3], $0x80, v3, vm0, $0xb8;
	[tilespmem:$0x1C100] =	vst v63  }
0x96: {  	s28 =	rddreg [dreg:$0x14]  }
0x97: {  	[hbm4b:s9+s4] =	stream.indirect_vreg.scatter [tilespmem:s28], [sflag:$0x3], $0x80, v3, vm0, $0xb8;
	[tilespmem:$0x1C100] =	vst v63  }
0x98: {  	v3 =	vld [tilespmem:$0x10];
	_ =	sdelay $0x4  }
0x99: {  	v53 =	vshll.u32 v3, $0x2  }
0x9a: {  	v3 =	vand.u32 $0x7, v3;
	v4 =	vand.u32 $0xFFFFFFE0, v53  }
0x9b: {  	v3 =	vor.u32 v3, v4  }
0x9c: {  	v4 =	vperm.xlane v3, v0;
	_ =	sdelay $0x1  }
0x9d: {  	v4 =	vadd.s32 v1, v4;
	_ =	sdelay $0x1  }
0x9e: {  	v3 =	vperm.xlane v3, v2;
	_ =	sdelay $0x1  }
0x9f: {  	s29 =	rddreg [dreg:$0x15];
	v3 =	vadd.s32 v1, v3  }
0xa0: {  	[hbm4b:s7+s4] =	stream.indirect_vreg.scatter [tilespmem:s29], [sflag:$0x3], $0x80, v4, vm0, $0xb8;
	[tilespmem:$0x1C100] =	vst v63  }
0xa1: {  	s30 =	rddreg [dreg:$0x16]  }
0xa2: {  	[hbm4b:s9+s4] =	stream.indirect_vreg.scatter [tilespmem:s30], [sflag:$0x3], $0x80, v4, vm0, $0xb8;
	[tilespmem:$0x1C100] =	vst v63  }
0xa3: {  	s31 =	rddreg [dreg:$0x17]  }
0xa4: {  	[hbm4b:s7+s4] =	stream.indirect_vreg.scatter [tilespmem:s31], [sflag:$0x3], $0x80, v3, vm0, $0xb8;
	[tilespmem:$0x1C100] =	vst v63  }
0xa5: {  	s26 =	rddreg [dreg:$0x18]  }
0xa6: {  	[hbm4b:s9+s4] =	stream.indirect_vreg.scatter [tilespmem:s26], [sflag:$0x3], $0x80, v3, vm0, $0xb8;
	[tilespmem:$0x1C100] =	vst v63  }
0xa7: {  	v3 =	vld [tilespmem:$0x20];
	_ =	sdelay $0x4  }
0xa8: {  	v54 =	vshll.u32 v3, $0x2  }
0xa9: {  	v3 =	vand.u32 $0x7, v3;
	v4 =	vand.u32 $0xFFFFFFE0, v54  }
0xaa: {  	v3 =	vor.u32 v3, v4  }
0xab: {  	v4 =	vperm.xlane v3, v0;
	_ =	sdelay $0x1  }
0xac: {  	v4 =	vadd.s32 v1, v4;
	_ =	sdelay $0x1  }
0xad: {  	v3 =	vperm.xlane v3, v2;
	_ =	sdelay $0x1  }
0xae: {  	s28 =	rddreg [dreg:$0x19];
	v3 =	vadd.s32 v1, v3  }
0xaf: {  	[hbm4b:s7+s4] =	stream.indirect_vreg.scatter [tilespmem:s28], [sflag:$0x3], $0x80, v4, vm0, $0xb8;
	[tilespmem:$0x1C100] =	vst v63  }
0xb0: {  	s29 =	rddreg [dreg:$0x1a]  }
0xb1: {  	[hbm4b:s9+s4] =	stream.indirect_vreg.scatter [tilespmem:s29], [sflag:$0x3], $0x80, v4, vm0, $0xb8;
	[tilespmem:$0x1C100] =	vst v63  }
0xb2: {  	s30 =	rddreg [dreg:$0x1b]  }
0xb3: {  	[hbm4b:s7+s4] =	stream.indirect_vreg.scatter [tilespmem:s30], [sflag:$0x3], $0x80, v3, vm0, $0xb8;
	[tilespmem:$0x1C100] =	vst v63  }
0xb4: {  	s31 =	rddreg [dreg:$0x1c]  }
0xb5: {  	[hbm4b:s9+s4] =	stream.indirect_vreg.scatter [tilespmem:s31], [sflag:$0x3], $0x80, v3, vm0, $0xb8;
	[tilespmem:$0x1C100] =	vst v63  }
0xb6: {  	v3 =	vld.msk [tilespmem:$0x30], $0xff;
	_ =	sdelay $0x4  }
0xb7: {  	v55 =	vshll.u32 v3, $0x2  }
0xb8: {  	v3 =	vand.u32 $0x7, v3;
	v4 =	vand.u32 $0xFFFFFFE0, v55  }
0xb9: {  	v3 =	vor.u32 v3, v4  }
0xba: {  	v3 =	vperm.xlane v3, v0;
	_ =	sdelay $0x1  }
0xbb: {  	v3 =	vadd.s32 v1, v3;
	_ =	sdelay $0x3  }
0xbc: {  	s25 =	rddreg [dreg:$0x1d]  }
0xbd: {  	[hbm4b:s7+s4] =	stream.indirect_vreg.scatter [tilespmem:s25], [sflag:$0x3], $0x80, v3, vm0, $0xb8;
	[tilespmem:$0x1C100] =	vst v63  }
0xbe: {  	s24 =	simm.s32 @!p0 $0x2;
	s26 =	rddreg [dreg:$0x1e]  }
0xbf: {  	[hbm4b:s9+s4] =	stream.indirect_vreg.scatter [tilespmem:s26], [sflag:$0x3], $0x80, v3, vm0, $0xb8;
	[tilespmem:$0x1C100] =	vst v63  }
0xc0: {  	_ =	swait.ge @!p0 [sflag:s24], $0x7000  }
0xc1: {  	[sflag:s24] =	ssyncset.done @!p0 $0x0  }
0xc2: {  	s23 =	smin.u32 s23, $0xC2E0;
	[sflag:s24] =	ssyncadd.s32 @!p0 $0xFFFF9000;
	s24 =	simm.s32 @!p0 $0x4  }
0xc3: {  	s23 =	sadd.s32 $0x38, s23;
	_ =	swait.ge @!p0 [sflag:s24], $0x7000  }
0xc4: {  	s29 =	sshrl.u32 s23, $0x3;
	[sflag:s24] =	ssyncset.done @!p0 $0x0  }
0xc5: {  	s30 =	sadd.s32 s5, s29;
	s28 =	rddreg [dreg:$0x1f];
	[sflag:s24] =	ssyncadd.s32 @!p0 $0xFFFF9000  }
0xc6: {  	[tilespmem:s28], [sflag:$0x5] =	stream.linear.gather [hbm4b:s30+s4], $0x38, $0x38;
	[tilespmem:$0x1C100] =	vst v63  }
0xc7: {  	_ =	swait.ge [sflag:s11], $0x38  }
0xc8: {  	s23 =	sshll.u32 s23, $0x6;
	[sflag:s11] =	ssyncset.done $0x0  }
0xc9: {  	s31 =	sadd.s32 s1, s23;
	[sflag:s11] =	ssyncadd.s32 $0xFFFFFFC8  }
0xca: {  	[tilespmem:s14], [sflag:$0x5] =	stream.linear.gather [hbm4b:s31+s4], $0x7000, $0x38;
	[tilespmem:$0x1C100] =	vst v63  }
0xcb: {  	_ =	swait.ge [sflag:s11], $0x7000  }
0xcc: {  	[sflag:s11] =	ssyncset.done $0x0  }
0xcd: {  	s23 =	sadd.s32 s3, s23;
	[sflag:s11] =	ssyncadd.s32 $0xFFFF9000  }
0xce: {  	[tilespmem:s15], [sflag:$0x5] =	stream.linear.gather [hbm4b:s23+s4], $0x7000, $0x38;
	[tilespmem:$0x1C100] =	vst v63  }
0xcf: {  	_ =	swait.ge [sflag:s11], $0x7000  }
0xd0: {  	[sflag:s11] =	ssyncset.done $0x0  }
0xd1: {  	[sflag:s11] =	ssyncadd.s32 $0xFFFF9000  }
0xd2: {  	v3 =	vld [tilespmem:$0x80];
	_ =	sdelay $0x4  }
0xd3: {  	v56 =	vshll.u32 v3, $0x2  }
0xd4: {  	v3 =	vand.u32 $0x7, v3;
	v4 =	vand.u32 $0xFFFFFFE0, v56  }
0xd5: {  	v3 =	vor.u32 v3, v4  }
0xd6: {  	v4 =	vperm.xlane v3, v0;
	_ =	sdelay $0x1  }
0xd7: {  	v4 =	vadd.s32 v1, v4;
	_ =	sdelay $0x1  }
0xd8: {  	v3 =	vperm.xlane v3, v2;
	_ =	sdelay $0x1  }
0xd9: {  	s24 =	sld [smem:$0x7E5];
	v3 =	vadd.s32 v1, v3  }
0xda: {  	[hbm4b:s6+s4] =	stream.indirect_vreg.scatter [tilespmem:s14], [sflag:$0x2], $0x80, v4, vm0, $0xb8;
	[tilespmem:$0x1C100] =	vst v63  }
0xdb: {  	s25 =	sld [smem:$0x7E6]  }
0xdc: {  	[hbm4b:s8+s4] =	stream.indirect_vreg.scatter [tilespmem:s24], [sflag:$0x2], $0x80, v4, vm0, $0xb8;
	[tilespmem:$0x1C100] =	vst v63  }
0xdd: {  	s26 =	sld [smem:$0x7E7]  }
0xde: {  	[hbm4b:s6+s4] =	stream.indirect_vreg.scatter [tilespmem:s25], [sflag:$0x2], $0x80, v3, vm0, $0xb8;
	[tilespmem:$0x1C100] =	vst v63  }
0xdf: {  	_ = 	snop  }
0xe0: {  	[hbm4b:s8+s4] =	stream.indirect_vreg.scatter [tilespmem:s26], [sflag:$0x2], $0x80, v3, vm0, $0xb8;
	[tilespmem:$0x1C100] =	vst v63  }
0xe1: {  	v3 =	vld [tilespmem:$0x90];
	_ =	sdelay $0x4  }
0xe2: {  	v57 =	vshll.u32 v3, $0x2  }
0xe3: {  	v3 =	vand.u32 $0x7, v3;
	v4 =	vand.u32 $0xFFFFFFE0, v57  }
0xe4: {  	v3 =	vor.u32 v3, v4  }
0xe5: {  	v4 =	vperm.xlane v3, v0;
	_ =	sdelay $0x1  }
0xe6: {  	v4 =	vadd.s32 v1, v4;
	_ =	sdelay $0x1  }
0xe7: {  	s28 =	sld [smem:$0x7E8];
	v3 =	vperm.xlane v3, v2;
	_ =	sdelay $0x1  }
0xe8: {  	s29 =	sld [smem:$0x7E9];
	v3 =	vadd.s32 v1, v3  }
0xe9: {  	[hbm4b:s6+s4] =	stream.indirect_vreg.scatter [tilespmem:s28], [sflag:$0x2], $0x80, v4, vm0, $0xb8;
	[tilespmem:$0x1C100] =	vst v63  }
0xea: {  	s30 =	sld [smem:$0x7EA]  }
0xeb: {  	[hbm4b:s8+s4] =	stream.indirect_vreg.scatter [tilespmem:s29], [sflag:$0x2], $0x80, v4, vm0, $0xb8;
	[tilespmem:$0x1C100] =	vst v63  }
0xec: {  	s31 =	sld [smem:$0x7EB]  }
0xed: {  	[hbm4b:s6+s4] =	stream.indirect_vreg.scatter [tilespmem:s30], [sflag:$0x2], $0x80, v3, vm0, $0xb8;
	[tilespmem:$0x1C100] =	vst v63  }
0xee: {  	_ = 	snop  }
0xef: {  	[hbm4b:s8+s4] =	stream.indirect_vreg.scatter [tilespmem:s31], [sflag:$0x2], $0x80, v3, vm0, $0xb8;
	[tilespmem:$0x1C100] =	vst v63  }
0xf0: {  	v3 =	vld [tilespmem:$0xA0];
	_ =	sdelay $0x4  }
0xf1: {  	v58 =	vshll.u32 v3, $0x2  }
0xf2: {  	v3 =	vand.u32 $0x7, v3;
	v4 =	vand.u32 $0xFFFFFFE0, v58  }
0xf3: {  	v3 =	vor.u32 v3, v4  }
0xf4: {  	v4 =	vperm.xlane v3, v0;
	_ =	sdelay $0x1  }
0xf5: {  	v4 =	vadd.s32 v1, v4;
	_ =	sdelay $0x1  }
0xf6: {  	s25 =	sld [smem:$0x7EC];
	v3 =	vperm.xlane v3, v2;
	_ =	sdelay $0x1  }
0xf7: {  	s26 =	sld [smem:$0x7ED];
	v3 =	vadd.s32 v1, v3  }
0xf8: {  	[hbm4b:s6+s4] =	stream.indirect_vreg.scatter [tilespmem:s25], [sflag:$0x2], $0x80, v4, vm0, $0xb8;
	[tilespmem:$0x1C100] =	vst v63  }
0xf9: {  	s28 =	sld [smem:$0x7EE]  }
0xfa: {  	[hbm4b:s8+s4] =	stream.indirect_vreg.scatter [tilespmem:s26], [sflag:$0x2], $0x80, v4, vm0, $0xb8;
	[tilespmem:$0x1C100] =	vst v63  }
0xfb: {  	s29 =	sld [smem:$0x7EF]  }
0xfc: {  	[hbm4b:s6+s4] =	stream.indirect_vreg.scatter [tilespmem:s28], [sflag:$0x2], $0x80, v3, vm0, $0xb8;
	[tilespmem:$0x1C100] =	vst v63  }
0xfd: {  	_ = 	snop  }
0xfe: {  	[hbm4b:s8+s4] =	stream.indirect_vreg.scatter [tilespmem:s29], [sflag:$0x2], $0x80, v3, vm0, $0xb8;
	[tilespmem:$0x1C100] =	vst v63  }
0xff: {  	v3 =	vld.msk [tilespmem:$0xB0], $0xff;
	_ =	sdelay $0x4  }
0x100: {  	v59 =	vshll.u32 v3, $0x2  }
0x101: {  	v3 =	vand.u32 $0x7, v3;
	v4 =	vand.u32 $0xFFFFFFE0, v59  }
0x102: {  	v3 =	vor.u32 v3, v4  }
0x103: {  	v3 =	vperm.xlane v3, v0;
	_ =	sdelay $0x1  }
0x104: {  	v3 =	vadd.s32 v1, v3;
	_ =	sdelay $0x1  }
0x105: {  	s30 =	sld [smem:$0x7F0];
	_ =	sdelay $0x1  }
0x106: {  	s31 =	sld [smem:$0x7F1]  }
0x107: {  	[hbm4b:s6+s4] =	stream.indirect_vreg.scatter [tilespmem:s30], [sflag:$0x2], $0x80, v3, vm0, $0xb8;
	[tilespmem:$0x1C100] =	vst v63  }
0x108: {  	_ = 	snop  }
0x109: {  	[hbm4b:s8+s4] =	stream.indirect_vreg.scatter [tilespmem:s31], [sflag:$0x2], $0x80, v3, vm0, $0xb8;
	[tilespmem:$0x1C100] =	vst v63  }
0x10a: {  	v3 =	vld [tilespmem:$0x80];
	_ =	sdelay $0x4  }
0x10b: {  	v60 =	vshll.u32 v3, $0x2  }
0x10c: {  	v3 =	vand.u32 $0x7, v3;
	v4 =	vand.u32 $0xFFFFFFE0, v60  }
0x10d: {  	v3 =	vor.u32 v3, v4  }
0x10e: {  	v4 =	vperm.xlane v3, v0;
	_ =	sdelay $0x1  }
0x10f: {  	v4 =	vadd.s32 v1, v4;
	_ =	sdelay $0x1  }
0x110: {  	v3 =	vperm.xlane v3, v2;
	_ =	sdelay $0x1  }
0x111: {  	s25 =	sld [smem:$0x7F2];
	v3 =	vadd.s32 v1, v3  }
0x112: {  	[hbm4b:s7+s4] =	stream.indirect_vreg.scatter [tilespmem:s15], [sflag:$0x4], $0x80, v4, vm0, $0xb8;
	[tilespmem:$0x1C100] =	vst v63  }
0x113: {  	s26 =	sld [smem:$0x7F3]  }
0x114: {  	[hbm4b:s9+s4] =	stream.indirect_vreg.scatter [tilespmem:s25], [sflag:$0x4], $0x80, v4, vm0, $0xb8;
	[tilespmem:$0x1C100] =	vst v63  }
0x115: {  	s28 =	sld [smem:$0x7F4]  }
0x116: {  	[hbm4b:s7+s4] =	stream.indirect_vreg.scatter [tilespmem:s26], [sflag:$0x4], $0x80, v3, vm0, $0xb8;
	[tilespmem:$0x1C100] =	vst v63  }
0x117: {  	_ = 	snop  }
0x118: {  	[hbm4b:s9+s4] =	stream.indirect_vreg.scatter [tilespmem:s28], [sflag:$0x4], $0x80, v3, vm0, $0xb8;
	[tilespmem:$0x1C100] =	vst v63  }
0x119: {  	v3 =	vld [tilespmem:$0x90];
	_ =	sdelay $0x4  }
0x11a: {  	v61 =	vshll.u32 v3, $0x2  }
0x11b: {  	v3 =	vand.u32 $0x7, v3;
	v4 =	vand.u32 $0xFFFFFFE0, v61  }
0x11c: {  	v3 =	vor.u32 v3, v4  }
0x11d: {  	v4 =	vperm.xlane v3, v0;
	_ =	sdelay $0x1  }
0x11e: {  	v4 =	vadd.s32 v1, v4;
	_ =	sdelay $0x1  }
0x11f: {  	s29 =	sld [smem:$0x7F5];
	v3 =	vperm.xlane v3, v2;
	_ =	sdelay $0x1  }
0x120: {  	s30 =	sld [smem:$0x7F6];
	v3 =	vadd.s32 v1, v3  }
0x121: {  	[hbm4b:s7+s4] =	stream.indirect_vreg.scatter [tilespmem:s29], [sflag:$0x4], $0x80, v4, vm0, $0xb8;
	[tilespmem:$0x1C100] =	vst v63  }
0x122: {  	s31 =	sld [smem:$0x7F7]  }
0x123: {  	[hbm4b:s9+s4] =	stream.indirect_vreg.scatter [tilespmem:s30], [sflag:$0x4], $0x80, v4, vm0, $0xb8;
	[tilespmem:$0x1C100] =	vst v63  }
0x124: {  	s25 =	sld [smem:$0x7F8]  }
0x125: {  	[hbm4b:s7+s4] =	stream.indirect_vreg.scatter [tilespmem:s31], [sflag:$0x4], $0x80, v3, vm0, $0xb8;
	[tilespmem:$0x1C100] =	vst v63  }
0x126: {  	_ = 	snop  }
0x127: {  	[hbm4b:s9+s4] =	stream.indirect_vreg.scatter [tilespmem:s25], [sflag:$0x4], $0x80, v3, vm0, $0xb8;
	[tilespmem:$0x1C100] =	vst v63  }
0x128: {  	v3 =	vld [tilespmem:$0xA0];
	_ =	sdelay $0x4  }
0x129: {  	v62 =	vshll.u32 v3, $0x2  }
0x12a: {  	v3 =	vand.u32 $0x7, v3;
	v4 =	vand.u32 $0xFFFFFFE0, v62  }
0x12b: {  	v3 =	vor.u32 v3, v4  }
0x12c: {  	v4 =	vperm.xlane v3, v0;
	_ =	sdelay $0x1  }
0x12d: {  	v4 =	vadd.s32 v1, v4;
	_ =	sdelay $0x1  }
0x12e: {  	s26 =	sld [smem:$0x7F9];
	v3 =	vperm.xlane v3, v2;
	_ =	sdelay $0x1  }
0x12f: {  	s28 =	sld [smem:$0x7FA];
	v3 =	vadd.s32 v1, v3  }
0x130: {  	[hbm4b:s7+s4] =	stream.indirect_vreg.scatter [tilespmem:s26], [sflag:$0x4], $0x80, v4, vm0, $0xb8;
	[tilespmem:$0x1C100] =	vst v63  }
0x131: {  	s29 =	sld [smem:$0x7FB]  }
0x132: {  	[hbm4b:s9+s4] =	stream.indirect_vreg.scatter [tilespmem:s28], [sflag:$0x4], $0x80, v4, vm0, $0xb8;
	[tilespmem:$0x1C100] =	vst v63  }
0x133: {  	s30 =	sld [smem:$0x7FC]  }
0x134: {  	[hbm4b:s7+s4] =	stream.indirect_vreg.scatter [tilespmem:s29], [sflag:$0x4], $0x80, v3, vm0, $0xb8;
	[tilespmem:$0x1C100] =	vst v63  }
0x135: {  	_ = 	snop  }
0x136: {  	[hbm4b:s9+s4] =	stream.indirect_vreg.scatter [tilespmem:s30], [sflag:$0x4], $0x80, v3, vm0, $0xb8;
	[tilespmem:$0x1C100] =	vst v63  }
0x137: {  	v3 =	vld.msk [tilespmem:$0xB0], $0xff;
	_ =	sdelay $0x4  }
0x138: {  	v63 =	vshll.u32 v3, $0x2  }
0x139: {  	v3 =	vand.u32 $0x7, v3;
	v4 =	vand.u32 $0xFFFFFFE0, v63  }
0x13a: {  	v3 =	vor.u32 v3, v4  }
0x13b: {  	v3 =	vperm.xlane v3, v0;
	_ =	sdelay $0x1  }
0x13c: {  	v3 =	vadd.s32 v1, v3  }
0x13d: {  	s22 =	sadd.s32 $0x70, s22  }
0x13e: {  	p0 =	sne.s32 s22, $0x620;
	s31 =	sld [smem:$0x7FD]  }
.Ltmp0:
0x13f: {  	_ = 	snop;
	(pc) =	sbr.rel @p0 .LBB2_2-.Ltmp0, $4  }
0x140: {  	_ = 	snop  }
0x141: {  	[hbm4b:s7+s4] =	stream.indirect_vreg.scatter [tilespmem:s31], [sflag:$0x4], $0x80, v3, vm0, $0xb8;
	[tilespmem:$0x1C100] =	vst v63  }
0x142: {  	_ = 	snop  }
0x143: {  	[hbm4b:s9+s4] =	stream.indirect_vreg.scatter [tilespmem:s16], [sflag:$0x4], $0x80, v3, vm0, $0xb8;
	[tilespmem:$0x1C100] =	vst v63  }
0x144: {  	_ =	swait.ge [sflag:s17], $0x7000  }
0x145: {  	[sflag:s17] =	ssyncset.done $0x0  }
0x146: {  	[sflag:s17] =	ssyncadd.s32 $0xFFFF9000  }
0x147: {  	_ =	swait.ge [sflag:s18], $0x7000  }
0x148: {  	[sflag:s18] =	ssyncset.done $0x0  }
0x149: {  	s21 =	sadd.s32 $0x1, s21;
	[sflag:s18] =	ssyncadd.s32 $0xFFFF9000  }
0x14a: {  	p0 =	sne.s32 s21, s10;
	_ =	swait.ge [sflag:s19], $0x7000  }
.Ltmp1:
0x14b: {  	[sflag:s19] =	ssyncset.done $0x0;
	(pc) =	sbr.rel @p0 .LBB2_1-.Ltmp1, $4  }
0x14c: {  	[sflag:s19] =	ssyncadd.s32 $0xFFFF9000  }
0x14d: {  	_ =	swait.ge [sflag:s20], $0x7000  }
0x14e: {  	[sflag:s20] =	ssyncset.done $0x0  }
0x14f: {  	[sflag:s20] =	ssyncadd.s32 $0xFFFF9000  }
0x150: {  	_ =	sfence.sel $0x180000  }
0x151: {  	[bflag:$0x0] =	sbarrier.arrive $0xFFFF  }
0x152: {  	p0 =	sne.s32 s0, $0x0;
	_ =	strace $0x90000047  }
0x153: {  	s0 =	sadd.s32 @!p0 $0x100000, s2;
	[bflag:$0x2] =	sbarrier.arrive $0xFFFF  }
0x154: {  	[sflag:s0] =	ssyncadd.tile.s32 @!p0 $0x1;
	_ =	shalt  }
.Lfunc_end2:
_tile_overlayer_lowered:
.L_overlay_start_2:
0x155: {  	(tag) =	ssettag $0x2  }
0x156: {  	s0 =	rddreg [dreg:$0x0];
	s2 =	stileid.u32  }
0x157: {  	s1 =	rddreg [dreg:$0x1];
	p0 =	sne.s32 s2, $0x0  }
0x158: {  	s3 =	rddreg [dreg:$0x2];
	[bflag:$0x3] =	sbarrier.arrive $0xFFFF;
	s2 =	simm.s32 @!p0 $0x1C05  }
0x159: {  	[timem:s3], [sflag:s2] =	dma.local @!p0 [hbm:s0], s1  }
0x15a: {  	s0 =	simm.s32 @!p0 $0x5  }
0x15b: {  	_ =	swait.ge @!p0 [sflag:s0], s1  }
0x15c: {  	s1 =	ssub.s32 @!p0 $0x0, s1;
	[sflag:s0] =	ssyncset.done @!p0 $0x0  }
0x15d: {  	[sflag:s0] =	ssyncadd.s32 @!p0 s1  }
0x15e: {  	[bflag:$0x3] =	sbarrier.arrive $0xFFFF  }
0x15f: {  	_ =	shalt  }

// kernel: kernel.8.cloned.1.call-start
scs
__scs_entry_jumppad:
0x0: {  	(pc) =	sbr.rel $0x88, $3  }
0x1: {  	(tag) =	ssettag $0x0;
	lr =	simm.s32 $0x1  }
0x2: {  	[smem:$0x3F9C] =	sst lr;
	_ =	strace $0xD0000000  }
0x3: {  	_ = 	snop  }
0x4: {  	_ = 	snop  }
0x5: {  	_ = 	snop  }
0x6: {  	_ = 	snop  }
0x7: {  	_ = 	snop  }
__scs_overlays_trampoline_lowered:
0x8: {  	[smem:$0x3FAB] =	sst s0  }
0x9: {  	[smem:$0x3FAC] =	sst s1  }
0xa: {  	[smem:$0x3FAD] =	sst s2  }
0xb: {  	[smem:$0x3FAE] =	sst s3  }
0xc: {  	[smem:$0x3FAF] =	sst s4  }
0xd: {  	[smem:$0x3FB0] =	sst s5  }
0xe: {  	[smem:$0x3FB1] =	sst s6  }
0xf: {  	[smem:$0x3FB2] =	sst s7  }
0x10: {  	[smem:$0x3FB3] =	sst s8  }
0x11: {  	[smem:$0x3FB4] =	sst s9;
	s0 =	simm.s32 @!p0 $0x0  }
0x12: {  	s1 =	sld [smem:$0x3F9A];
	s0 =	simm.s32 @p0 $0x1  }
0x13: {  	[smem:$0x3FB5] =	sst s0;
	s0 =	simm.s32 @!p1 $0x0  }
0x14: {  	s2 =	sld [smem:$0x3F99];
	s0 =	simm.s32 @p1 $0x1  }
0x15: {  	[smem:$0x3FB6] =	sst s0;
	s0 =	simm.s32 @!p2 $0x0  }
0x16: {  	s3 =	sld [smem:$0x3FDB];
	s0 =	simm.s32 @p2 $0x1  }
0x17: {  	s4 =	simm.s32 $0x1BF5;
	[smem:$0x3FB8] =	sst s0  }
0x18: {  	s0 =	sld [smem:$0x3F9B];
	_ =	swait.ge [sflag:s4], $0x0  }
0x19: {  	s7 =	sld [smem:$0x3F9C]  }
0x1a: {  	s8 =	sadd.s32 $0xFFFFE003, lr  }
0x1b: {  	s9 =	sadd.s32 $0xFFFFFEF7, lr;
	s5 =	simm.s32 $0xFFFFFFFF;
	p2 =	slt.u32 s8, $0xFFFFF086  }
0x1c: {  	p1 =	slt.u32 s9, $0xF7A;
	s5 =	simm.s32 @!p2 $0x0  }
0x1d: {  	s5 =	simm.s32 @p1 $0x1;
	p0 =	seq.s32 s7, s2  }
0x1e: {  	s7 =	smul.u32 @!p0 $0xF7A, s2;
	p2 =	seq.s32 @!p0 s5, $0x0  }
0x1f: {  	s9 =	smul.u32 $0xF7A, s1;
	s8 =	simm.s32 @!p0 $0x1BF5;
	p2 =	por !p2, p0  }
0x20: {  	[sflag:s8] =	ssyncset.s32 @!p0 $0xFFFFF086;
	s6 =	sadd.s32 @!p0 s3, s7;
	s7 =	simm.s32 @!p0 $0x108  }
0x21: {  	s3 =	sadd.s32 s3, s9;
	s6 =	sadd.s32 @!p0 $0x88, s6;
	s7 =	simm.s32 @p2 $0x1082  }
0x22: {  	[simem:s7], [sflag:s8] =	dma.local @!p0 [hbm:s6], $0xF7A  }
0x23: {  	s9 =	sor.u32 $0xD0000000, s2;
	s6 =	simm.s32 $0x108;
	_ =	swait.ge @!p0 [sflag:s8], $0x0  }
0x24: {  	s3 =	sadd.s32 $0x88, s3;
	s6 =	simm.s32 @!p1 $0x1082;
	[sflag:s4] =	ssyncset.s32 $0xFFFFF086  }
0x25: {  	[simem:s6], [sflag:s4] =	dma.local [hbm:s3], $0xF7A  }
0x26: {  	[smem:$0x3F9C] =	sst s1;
	(tag) =	ssettag s2;
	_ =	strace s9  }
0x27: {  	s1 =	sld [smem:$0x3FAC]  }
0x28: {  	s2 =	sld [smem:$0x3FAD]  }
0x29: {  	s4 =	sld [smem:$0x3FAF]  }
0x2a: {  	p0 =	seq.s32 s5, $0x0;
	s5 =	sld [smem:$0x3FB0]  }
0x2b: {  	s6 =	sld [smem:$0x3FB1]  }
0x2c: {  	s7 =	sld [smem:$0x3FB2]  }
0x2d: {  	s3 =	simm.s32 $0x108;
	s8 =	sld [smem:$0x3FB3]  }
0x2e: {  	s3 =	simm.s32 @!p0 $0x1082;
	s9 =	sld [smem:$0x3FB4]  }
0x2f: {  	lr =	sadd.s32 s0, s3;
	s0 =	sld [smem:$0x3FAB]  }
0x30: {  	s3 =	sld [smem:$0x3FAE]  }
0x31: {  	[smem:$0x3FB7] =	sst s10  }
0x32: {  	s10 =	sld [smem:$0x3FB5];
	_ =	sdelay $0x3  }
0x33: {  	p0 =	seq.s32 s10, $0x1;
	s10 =	sld [smem:$0x3FB7];
	_ =	sdelay $0x3  }
0x34: {  	[smem:$0x3FB7] =	sst s10  }
0x35: {  	s10 =	sld [smem:$0x3FB6];
	_ =	sdelay $0x3  }
0x36: {  	p1 =	seq.s32 s10, $0x1;
	s10 =	sld [smem:$0x3FB7];
	_ =	sdelay $0x3  }
0x37: {  	[smem:$0x3FB7] =	sst s10  }
0x38: {  	s10 =	sld [smem:$0x3FB8]  }
0x39: {  	_ = 	snop;
	(pc) =	sbr.ind lr, $3  }
0x3a: {  	_ = 	snop  }
0x3b: {  	_ = 	snop  }
0x3c: {  	p2 =	seq.s32 s10, $0x1;
	s10 =	sld [smem:$0x3FB7]  }
0x3d: {  	_ =	shalt  }
0x3e: {  	_ =	shalt  }
0x3f: {  	_ =	shalt  }
0x40: {  	_ =	shalt  }
0x41: {  	_ =	shalt  }
0x42: {  	_ =	shalt  }
0x43: {  	_ =	shalt  }
0x44: {  	_ =	shalt  }
0x45: {  	_ =	shalt  }
0x46: {  	_ =	shalt  }
0x47: {  	_ =	shalt  }
0x48: {  	_ =	shalt  }
0x49: {  	_ =	shalt  }
0x4a: {  	_ =	shalt  }
0x4b: {  	_ =	shalt  }
0x4c: {  	_ =	shalt  }
0x4d: {  	_ =	shalt  }
0x4e: {  	_ =	shalt  }
0x4f: {  	_ =	shalt  }
0x50: {  	_ =	shalt  }
0x51: {  	_ =	shalt  }
0x52: {  	_ =	shalt  }
0x53: {  	_ =	shalt  }
0x54: {  	_ =	shalt  }
0x55: {  	_ =	shalt  }
0x56: {  	_ =	shalt  }
0x57: {  	_ =	shalt  }
0x58: {  	_ =	shalt  }
0x59: {  	_ =	shalt  }
0x5a: {  	_ =	shalt  }
0x5b: {  	_ =	shalt  }
0x5c: {  	_ =	shalt  }
0x5d: {  	_ =	shalt  }
0x5e: {  	_ =	shalt  }
0x5f: {  	_ =	shalt  }
0x60: {  	_ =	shalt  }
0x61: {  	_ =	shalt  }
0x62: {  	_ =	shalt  }
0x63: {  	_ =	shalt  }
0x64: {  	_ =	shalt  }
0x65: {  	_ =	shalt  }
0x66: {  	_ =	shalt  }
0x67: {  	_ =	shalt  }
0x68: {  	_ =	shalt  }
0x69: {  	_ =	shalt  }
0x6a: {  	_ =	shalt  }
0x6b: {  	_ =	shalt  }
0x6c: {  	_ =	shalt  }
0x6d: {  	_ =	shalt  }
0x6e: {  	_ =	shalt  }
0x6f: {  	_ =	shalt  }
0x70: {  	_ =	shalt  }
0x71: {  	_ =	shalt  }
0x72: {  	_ =	shalt  }
0x73: {  	_ =	shalt  }
0x74: {  	_ =	shalt  }
0x75: {  	_ =	shalt  }
0x76: {  	_ =	shalt  }
0x77: {  	_ =	shalt  }
0x78: {  	_ =	shalt  }
0x79: {  	_ =	shalt  }
0x7a: {  	_ =	shalt  }
0x7b: {  	_ =	shalt  }
0x7c: {  	_ =	shalt  }
0x7d: {  	_ =	shalt  }
0x7e: {  	_ =	shalt  }
0x7f: {  	_ =	shalt  }
0x80: {  	_ =	shalt  }
0x81: {  	_ =	shalt  }
0x82: {  	_ =	shalt  }
0x83: {  	_ =	shalt  }
0x84: {  	_ =	shalt  }
0x85: {  	_ =	shalt  }
0x86: {  	_ =	shalt  }
0x87: {  	_ =	shalt  }
.Lfunc_end0:
.L_simem_size_0:
called_computation.1_lowered:
.L_overlay_start_0:
0x88: {  	s2 =	sld [smem:$0x3FD9]  }
0x89: {  	s3 =	sld [smem:$0x3FFE];
	_ =	sdelay $0x1  }
0x8a: {  	s1 =	srdreg.scid  }
0x8b: {  	s0 =	sand.u32 $0x1, s1  }
0x8c: {  	s17 =	sshll.u32 s0, $0xA;
	s2 =	sadd.s32 s3, s2  }
0x8d: {  	s2 =	sadd.s32 s2, s17  }
0x8e: {  	[smem:$0x3FC3] =	sst s2  }
0x8f: {  	_ = 	snop  }
0x90: {  	s2 =	sld [smem:$0x3FD0];
	(tm) =	ssettm $0x1  }
0x91: {  	s18 =	sld [smem:$0x3FFB];
	_ =	sdelay $0x3  }
0x92: {  	_ =	strace s18  }
0x93: {  	s3 =	sld [smem:$0x3FFC];
	_ =	sdelay $0x3  }
0x94: {  	_ =	strace s3  }
0x95: {  	s3 =	sld [smem:$0x3FFD];
	_ =	sdelay $0x3  }
0x96: {  	_ =	strace s3  }
0x97: {  	_ =	strace $0x8FFFFFFF  }
0x98: {  	s19 =	sld [smem:$0x3FDB];
	_ =	sdelay $0x1  }
0x99: {  	s4 =	simm.s32 $_scs_section_size  }
0x9a: {  	s5 =	simm.s32 $_size__tile_overlayer_lowered;
	s6 =	simm.s32 $_tile_overlayer_lowered  }
0x9b: {  	s22 =	simm.s32 $0x1BFF;
	s21 =	sshll.u32 s6, $0x1;
	s3 =	sadd.s32 s4, s19  }
0x9c: {  	s7 =	simm.s32 $0x0;
	s20 =	sshll.u32 s5, $0x1;
	s5 =	sadd.s32 s21, s3  }
0x9d: {  	[timem:s7], [sflag:s22] =	dma.local [hbm:s5], s20  }
0x9e: {  	_ =	swait.ge [sflag:s22], s20  }
0x9f: {  	s4 =	ssub.s32 $0x0, s20;
	[sflag:s22] =	ssyncset.done $0x0  }
0xa0: {  	[sflag:s22] =	ssyncadd.s32 s4;
	_ =	sdelay $0x1  }
0xa1: {  	s23 =	simm.s32 $0x1B8B  }
0xa2: {  	_ =	swait.ge [sflag:s23], $0x1  }
0xa3: {  	[sflag:s23] =	ssyncset.done $0x0  }
0xa4: {  	s25 =	simm.s32 $0x1B8E;
	s24 =	sld [smem:$0x3FFE];
	[sflag:s23] =	ssyncadd.s32 $0xFFFFFFFF  }
0xa5: {  	s26 =	simm.s32 $execute0_lowered;
	[smem:$0x3FD2] =	sst s25  }
0xa6: {  	s5 =	sshll.u32 s26, $0x1;
	_ =	strace $0x80000049;
	[dreg:$0x1] =	wrdreg $0xFFFFFFFF  }
0xa7: {  	s28 =	simm.s32 $_size_execute0_lowered;
	s3 =	sadd.s32 s3, s5;
	[dreg:$0x0] =	wrdreg $0x0  }
0xa8: {  	s5 =	sshll.u32 s28, $0x1;
	[dreg:$0x2] =	wrdreg s3  }
0xa9: {  	[dreg:$0x3] =	wrdreg s5  }
0xaa: {  	[dreg:$0x4] =	wrdreg $0xC0  }
0xab: {  	_ =	task [dreg:s7], $0x5FFFF  }
0xac: {  	[dreg:$0x1] =	wrdreg $0xFFFFFFFF  }
0xad: {  	[dreg:$0x0] =	wrdreg $0x60  }
0xae: {  	[dreg:$0x2] =	wrdreg s24  }
0xaf: {  	[dreg:$0x3] =	wrdreg s2  }
0xb0: {  	[dreg:$0x4] =	wrdreg $0x9  }
0xb1: {  	_ =	task.clear_ibuf [dreg:s7], $0x5FFFF;
	_ =	strace $0x90000049  }
0xb2: {  	s29 =	simm.s32 $0x9;
	_ =	strace $0x8000004B  }
0xb3: {  	_ =	swait.ge [sflag:s29], $0x1  }
0xb4: {  	[sflag:s29] =	ssyncadd.s32 $0xFFFFFFFF  }
0xb5: {  	_ =	strace $0x9000004B  }
0xb6: {  	_ =	sfence  }
0xb7: {  	s30 =	sld [smem:$0x0];
	_ =	sdelay $0x2  }
0xb8: {  	s31 =	sshll.u32 s1, $0xD;
	s1 =	sshrl.u32 s1, $0x2  }
0xb9: {  	s3 =	sand.u32 $0x4000, s31;
	s1 =	sadd.s32 s1, s30  }
0xba: {  	s0 =	sor.u32 s3, s0;
	s1 =	sshll.u32 s1, $0x11  }
0xbb: {  	s0 =	sor.u32 s1, s0  }
0xbc: {  	s0 =	sadd.s32 $0x8F2B, s0  }
0xbd: {  	[sflag:s0] =	ssyncadd.remote.s32 $0x1  }
0xbe: {  	_ =	sfence.sel $0xFFFF  }
0xbf: {  	[dreg:$0x0] =	wrdreg $0xFFFFFFFF;
	(pc) =	sbr.abs _section_cstart, $3  }
0xc0: {  	[dreg:$0x1] =	wrdreg $0xFFFFFFFF  }
0xc1: {  	_ =	task.clear_ibuf [dreg:s7], $0x2FFFF;
	_ =	strace $0x9FFFFFFF  }
0xc2: {  	(tm) =	ssettm $0x7FFFFFFF  }
0xc3: {  	_ =	shalt  }
tec
execute0_lowered:
.L_overlay_start_1:
0x0: {  	(tag) =	ssettag $0x1  }
0x1: {  	s6 =	rddreg [dreg:$0x0]  }
0x2: {  	s1 =	srdreg.scid;
	s2 =	rddreg [dreg:$0x1]  }
0x3: {  	s3 =	simm.s32 $0x0;
	s7 =	sand.u32 $0x1, s1;
	s1 =	rddreg [dreg:$0x2]  }
0x4: {  	s9 =	simm.s32 $0x900;
	[smem:$0x7FF] =	sst s3  }
0x5: {  	s10 =	simm.s32 $0x1100;
	_ =	strace $0x8000004A;
	[dreg:$0x4] =	wrdreg s9  }
0x6: {  	s11 =	simm.s32 $0x1900;
	[dreg:$0x5] =	wrdreg s10  }
0x7: {  	s12 =	simm.s32 $0x2100;
	[dreg:$0x6] =	wrdreg s11  }
0x8: {  	s13 =	simm.s32 $0x2900;
	[dreg:$0x7] =	wrdreg s12  }
0x9: {  	s14 =	simm.s32 $0x3100;
	[dreg:$0x8] =	wrdreg s13  }
0xa: {  	s15 =	simm.s32 $0x3900;
	[dreg:$0x9] =	wrdreg s14  }
0xb: {  	s16 =	simm.s32 $0x4100;
	[dreg:$0xa] =	wrdreg s15  }
0xc: {  	s17 =	simm.s32 $0x4900;
	[dreg:$0xb] =	wrdreg s16  }
0xd: {  	s18 =	simm.s32 $0x5100;
	[dreg:$0xc] =	wrdreg s17  }
0xe: {  	s19 =	simm.s32 $0x5900;
	[dreg:$0xd] =	wrdreg s18  }
0xf: {  	s20 =	simm.s32 $0x6100;
	[dreg:$0xe] =	wrdreg s19  }
0x10: {  	s21 =	simm.s32 $0x6900;
	[dreg:$0xf] =	wrdreg s20  }
0x11: {  	s22 =	simm.s32 $0x7100;
	[dreg:$0x10] =	wrdreg s21  }
0x12: {  	s23 =	simm.s32 $0x7900;
	[dreg:$0x11] =	wrdreg s22  }
0x13: {  	s24 =	simm.s32 $0x8100;
	[dreg:$0x12] =	wrdreg s23  }
0x14: {  	s25 =	simm.s32 $0x8900;
	[dreg:$0x13] =	wrdreg s24  }
0x15: {  	s26 =	simm.s32 $0x9100;
	[dreg:$0x14] =	wrdreg s25  }
0x16: {  	s28 =	simm.s32 $0x9900;
	[dreg:$0x15] =	wrdreg s26  }
0x17: {  	s29 =	simm.s32 $0xA100;
	[dreg:$0x16] =	wrdreg s28  }
0x18: {  	s30 =	simm.s32 $0xA900;
	[dreg:$0x17] =	wrdreg s29  }
0x19: {  	s31 =	simm.s32 $0xB100;
	[dreg:$0x18] =	wrdreg s30  }
0x1a: {  	s8 =	simm.s32 $0xC100;
	[dreg:$0x19] =	wrdreg s31  }
0x1b: {  	[dreg:$0x1b] =	wrdreg s8;
	s9 =	simm.s32 $0xC900  }
0x1c: {  	s10 =	simm.s32 $0xD100;
	[dreg:$0x1c] =	wrdreg s9  }
0x1d: {  	s11 =	simm.s32 $0xD900;
	[dreg:$0x1d] =	wrdreg s10  }
0x1e: {  	s12 =	simm.s32 $0x80;
	[dreg:$0x1e] =	wrdreg s11  }
0x1f: {  	s13 =	simm.s32 $0xE900;
	[dreg:$0x1f] =	wrdreg s12  }
0x20: {  	s14 =	simm.s32 $0xF100;
	[smem:$0x7EA] =	sst s13  }
0x21: {  	s15 =	simm.s32 $0xF900;
	[smem:$0x7EB] =	sst s14  }
0x22: {  	s16 =	simm.s32 $0x10100;
	[smem:$0x7EC] =	sst s15  }
0x23: {  	s17 =	simm.s32 $0x10900;
	[smem:$0x7ED] =	sst s16  }
0x24: {  	s18 =	simm.s32 $0x11100;
	[smem:$0x7EE] =	sst s17  }
0x25: {  	s19 =	simm.s32 $0x11900;
	[smem:$0x7EF] =	sst s18  }
0x26: {  	s20 =	simm.s32 $0x12100;
	[smem:$0x7F0] =	sst s19  }
0x27: {  	s21 =	simm.s32 $0x12900;
	[smem:$0x7F1] =	sst s20  }
0x28: {  	s22 =	simm.s32 $0x13100;
	[smem:$0x7F2] =	sst s21  }
0x29: {  	s23 =	simm.s32 $0x13900;
	[smem:$0x7F3] =	sst s22  }
0x2a: {  	s24 =	simm.s32 $0x14100;
	[smem:$0x7F4] =	sst s23  }
0x2b: {  	s8 =	simm.s32 $0x14900;
	[smem:$0x7F5] =	sst s24  }
0x2c: {  	s25 =	simm.s32 $0x15100;
	[smem:$0x7F6] =	sst s8  }
0x2d: {  	s0 =	stileid.u32;
	s26 =	simm.s32 $0x15900;
	[smem:$0x7F7] =	sst s25  }
0x2e: {  	s4 =	smul.u32 $0xC40, s0;
	s28 =	simm.s32 $0x16100;
	[smem:$0x7F8] =	sst s26  }
0x2f: {  	s5 =	smul.u32 $0x620, s7;
	s29 =	simm.s32 $0x16900;
	[smem:$0x7F9] =	sst s28  }
0x30: {  	s7 =	ssub.s32 $0x2, s7;
	s30 =	simm.s32 $0x17100;
	[smem:$0x7FA] =	sst s29  }
0x31: {  	s31 =	simm.s32 $0x17900;
	s9 =	sshrl.u32 s7, $0x1;
	[smem:$0x7FB] =	sst s30  }
0x32: {  	s8 =	simm.s32 $0x5;
	[smem:$0x7FC] =	sst s31;
	s11 =	simm.s32 $0x18100  }
0x33: {  	s10 =	simm.s32 $0xE100;
	s12 =	simm.s32 $0x19100;
	s13 =	simm.s32 $0x19900  }
0x34: {  	s14 =	simm.s32 $0x1A100;
	s15 =	simm.s32 $0x1A900;
	s16 =	simm.s32 $0x1B100  }
0x35: {  	s17 =	simm.s32 $0x1B900;
	s18 =	simm.s32 $0x1;
	s19 =	simm.s32 $0x2  }
0x36: {  	s20 =	simm.s32 $0x3;
	s21 =	simm.s32 $0x4;
	s22 =	simm.s32 $0x0  }
0x37: {  	s4 =	sadd.s32 s5, s4;
	s5 =	simm.s32 $0xB900;
	[smem:$0x7FD] =	sst s11  }
0x38: {  	v2 =	vlaneseq.u32;
	s7 =	ssub.s32 s7, s9;
	s9 =	simm.s32 $0x100;
	[dreg:$0x3] =	wrdreg s4  }
0x39: {  	vm0 =	vmmov $0xffff;
	v1 =	vshrl.u32 v2, $0x3;
	s11 =	simm.s32 $0x18900;
	[dreg:$0x1a] =	wrdreg s5;
	s4 =	sadd.s32 $0x731C00, s6  }
0x3a: {  	v0 =	vand.u32 $0x7, v2;
	v2 =	vor.u32 $0x8, v2;
	v1 =	vmul.u32 $0x8, v1;
	s5 =	sadd.s32 $0x200, s6;
	s6 =	sadd.s32 $0x731D00, s6;
	s7 =	smax.u32 s7, $0x1  }
.LBB2_1:
0x3b: {  	s23 =	simm.s32 $0x0  }
.LBB2_2:
0x3c: {  	s24 =	rddreg [dreg:$0x3];
	p0 =	seq.s32 s23, $0x0  }
0x3d: {  	s25 =	sadd.s32 s23, s24;
	s26 =	simm.s32 @!p0 $0x3  }
0x3e: {  	s24 =	smin.u32 s25, $0xC2E0;
	_ =	swait.ge @!p0 [sflag:s26], $0xE000  }
0x3f: {  	[sflag:s26] =	ssyncset.done @!p0 $0x0;
	s28 =	sshrl.u32 s24, $0x3  }
0x40: {  	[sflag:s26] =	ssyncadd.s32 @!p0 $0xFFFF2000;
	s29 =	sadd.s32 s5, s28  }
0x41: {  	[tilespmem:s3], [sflag:$0x5] =	stream.linear.gather [hbm4b:s29+s3], $0x70, $0x38;
	[tilespmem:$0x1C100] =	vst v63  }
0x42: {  	_ =	swait.ge [sflag:s8], $0x70  }
0x43: {  	[sflag:s8] =	ssyncset.done $0x0  }
0x44: {  	[sflag:s8] =	ssyncadd.s32 $0xFFFFFF90  }
0x45: {  	v3 =	vld [tilespmem:$0x0];
	_ =	sdelay $0x4  }
0x46: {  	v4 =	vshll.u32 v3, $0x2  }
0x47: {  	v3 =	vand.u32 $0x7, v3;
	v4 =	vand.u32 $0xFFFFFFE0, v4  }
0x48: {  	v3 =	vor.u32 v3, v4  }
0x49: {  	v4 =	vperm.xlane v3, v0;
	_ =	sdelay $0x1  }
0x4a: {  	v4 =	vadd.s32 v1, v4;
	_ =	sdelay $0x1  }
0x4b: {  	v3 =	vperm.xlane v3, v2;
	_ =	sdelay $0x1  }
0x4c: {  	v3 =	vadd.s32 v1, v3  }
0x4d: {  	[tilespmem:s9], [sflag:$0x1] =	stream.indirect_vreg.gather [hbm4b:s4+s3], $0x80, v4, vm0, $0xb8;
	[tilespmem:$0x1C100] =	vst v63  }
0x4e: {  	s30 =	rddreg [dreg:$0x4]  }
0x4f: {  	[tilespmem:s30], [sflag:$0x1] =	stream.indirect_vreg.gather [hbm4b:s6+s3], $0x80, v4, vm0, $0xb8;
	[tilespmem:$0x1C100] =	vst v63  }
0x50: {  	s31 =	rddreg [dreg:$0x5]  }
0x51: {  	[tilespmem:s31], [sflag:$0x1] =	stream.indirect_vreg.gather [hbm4b:s4+s3], $0x80, v3, vm0, $0xb8;
	[tilespmem:$0x1C100] =	vst v63  }
0x52: {  	s29 =	rddreg [dreg:$0x6]  }
0x53: {  	[tilespmem:s29], [sflag:$0x1] =	stream.indirect_vreg.gather [hbm4b:s6+s3], $0x80, v3, vm0, $0xb8;
	[tilespmem:$0x1C100] =	vst v63  }
0x54: {  	v3 =	vld [tilespmem:$0x10];
	_ =	sdelay $0x4  }
0x55: {  	v51 =	vshll.u32 v3, $0x2  }
0x56: {  	v3 =	vand.u32 $0x7, v3;
	v4 =	vand.u32 $0xFFFFFFE0, v51  }
0x57: {  	v3 =	vor.u32 v3, v4  }
0x58: {  	v4 =	vperm.xlane v3, v0;
	_ =	sdelay $0x1  }
0x59: {  	v4 =	vadd.s32 v1, v4;
	_ =	sdelay $0x1  }
0x5a: {  	v3 =	vperm.xlane v3, v2;
	_ =	sdelay $0x1  }
0x5b: {  	s30 =	rddreg [dreg:$0x7];
	v3 =	vadd.s32 v1, v3  }
0x5c: {  	[tilespmem:s30], [sflag:$0x1] =	stream.indirect_vreg.gather [hbm4b:s4+s3], $0x80, v4, vm0, $0xb8;
	[tilespmem:$0x1C100] =	vst v63  }
0x5d: {  	s31 =	rddreg [dreg:$0x8]  }
0x5e: {  	[tilespmem:s31], [sflag:$0x1] =	stream.indirect_vreg.gather [hbm4b:s6+s3], $0x80, v4, vm0, $0xb8;
	[tilespmem:$0x1C100] =	vst v63  }
0x5f: {  	s29 =	rddreg [dreg:$0x9]  }
0x60: {  	[tilespmem:s29], [sflag:$0x1] =	stream.indirect_vreg.gather [hbm4b:s4+s3], $0x80, v3, vm0, $0xb8;
	[tilespmem:$0x1C100] =	vst v63  }
0x61: {  	s30 =	rddreg [dreg:$0xa]  }
0x62: {  	[tilespmem:s30], [sflag:$0x1] =	stream.indirect_vreg.gather [hbm4b:s6+s3], $0x80, v3, vm0, $0xb8;
	[tilespmem:$0x1C100] =	vst v63  }
0x63: {  	v3 =	vld [tilespmem:$0x20];
	_ =	sdelay $0x4  }
0x64: {  	v52 =	vshll.u32 v3, $0x2  }
0x65: {  	v3 =	vand.u32 $0x7, v3;
	v4 =	vand.u32 $0xFFFFFFE0, v52  }
0x66: {  	v3 =	vor.u32 v3, v4  }
0x67: {  	v4 =	vperm.xlane v3, v0;
	_ =	sdelay $0x1  }
0x68: {  	v4 =	vadd.s32 v1, v4;
	_ =	sdelay $0x1  }
0x69: {  	v3 =	vperm.xlane v3, v2;
	_ =	sdelay $0x1  }
0x6a: {  	s31 =	rddreg [dreg:$0xb];
	v3 =	vadd.s32 v1, v3  }
0x6b: {  	[tilespmem:s31], [sflag:$0x1] =	stream.indirect_vreg.gather [hbm4b:s4+s3], $0x80, v4, vm0, $0xb8;
	[tilespmem:$0x1C100] =	vst v63  }
0x6c: {  	s29 =	rddreg [dreg:$0xc]  }
0x6d: {  	[tilespmem:s29], [sflag:$0x1] =	stream.indirect_vreg.gather [hbm4b:s6+s3], $0x80, v4, vm0, $0xb8;
	[tilespmem:$0x1C100] =	vst v63  }
0x6e: {  	s30 =	rddreg [dreg:$0xd]  }
0x6f: {  	[tilespmem:s30], [sflag:$0x1] =	stream.indirect_vreg.gather [hbm4b:s4+s3], $0x80, v3, vm0, $0xb8;
	[tilespmem:$0x1C100] =	vst v63  }
0x70: {  	s31 =	rddreg [dreg:$0xe]  }
0x71: {  	[tilespmem:s31], [sflag:$0x1] =	stream.indirect_vreg.gather [hbm4b:s6+s3], $0x80, v3, vm0, $0xb8;
	[tilespmem:$0x1C100] =	vst v63  }
0x72: {  	v3 =	vld [tilespmem:$0x30];
	_ =	sdelay $0x4  }
0x73: {  	v53 =	vshll.u32 v3, $0x2  }
0x74: {  	v3 =	vand.u32 $0x7, v3;
	v4 =	vand.u32 $0xFFFFFFE0, v53  }
0x75: {  	v3 =	vor.u32 v3, v4  }
0x76: {  	v4 =	vperm.xlane v3, v0;
	_ =	sdelay $0x1  }
0x77: {  	v4 =	vadd.s32 v1, v4;
	_ =	sdelay $0x1  }
0x78: {  	v3 =	vperm.xlane v3, v2;
	_ =	sdelay $0x1  }
0x79: {  	s29 =	rddreg [dreg:$0xf];
	v3 =	vadd.s32 v1, v3  }
0x7a: {  	[tilespmem:s29], [sflag:$0x1] =	stream.indirect_vreg.gather [hbm4b:s4+s3], $0x80, v4, vm0, $0xb8;
	[tilespmem:$0x1C100] =	vst v63  }
0x7b: {  	s30 =	rddreg [dreg:$0x10]  }
0x7c: {  	[tilespmem:s30], [sflag:$0x1] =	stream.indirect_vreg.gather [hbm4b:s6+s3], $0x80, v4, vm0, $0xb8;
	[tilespmem:$0x1C100] =	vst v63  }
0x7d: {  	s31 =	rddreg [dreg:$0x11]  }
0x7e: {  	[tilespmem:s31], [sflag:$0x1] =	stream.indirect_vreg.gather [hbm4b:s4+s3], $0x80, v3, vm0, $0xb8;
	[tilespmem:$0x1C100] =	vst v63  }
0x7f: {  	s29 =	rddreg [dreg:$0x12]  }
0x80: {  	[tilespmem:s29], [sflag:$0x1] =	stream.indirect_vreg.gather [hbm4b:s6+s3], $0x80, v3, vm0, $0xb8;
	[tilespmem:$0x1C100] =	vst v63  }
0x81: {  	v3 =	vld [tilespmem:$0x40];
	_ =	sdelay $0x4  }
0x82: {  	v54 =	vshll.u32 v3, $0x2  }
0x83: {  	v3 =	vand.u32 $0x7, v3;
	v4 =	vand.u32 $0xFFFFFFE0, v54  }
0x84: {  	v3 =	vor.u32 v3, v4  }
0x85: {  	v4 =	vperm.xlane v3, v0;
	_ =	sdelay $0x1  }
0x86: {  	v4 =	vadd.s32 v1, v4;
	_ =	sdelay $0x1  }
0x87: {  	v3 =	vperm.xlane v3, v2;
	_ =	sdelay $0x1  }
0x88: {  	s30 =	rddreg [dreg:$0x13];
	v3 =	vadd.s32 v1, v3  }
0x89: {  	[tilespmem:s30], [sflag:$0x1] =	stream.indirect_vreg.gather [hbm4b:s4+s3], $0x80, v4, vm0, $0xb8;
	[tilespmem:$0x1C100] =	vst v63  }
0x8a: {  	s31 =	rddreg [dreg:$0x14]  }
0x8b: {  	[tilespmem:s31], [sflag:$0x1] =	stream.indirect_vreg.gather [hbm4b:s6+s3], $0x80, v4, vm0, $0xb8;
	[tilespmem:$0x1C100] =	vst v63  }
0x8c: {  	s29 =	rddreg [dreg:$0x15]  }
0x8d: {  	[tilespmem:s29], [sflag:$0x1] =	stream.indirect_vreg.gather [hbm4b:s4+s3], $0x80, v3, vm0, $0xb8;
	[tilespmem:$0x1C100] =	vst v63  }
0x8e: {  	s30 =	rddreg [dreg:$0x16]  }
0x8f: {  	[tilespmem:s30], [sflag:$0x1] =	stream.indirect_vreg.gather [hbm4b:s6+s3], $0x80, v3, vm0, $0xb8;
	[tilespmem:$0x1C100] =	vst v63  }
0x90: {  	v3 =	vld [tilespmem:$0x50];
	_ =	sdelay $0x4  }
0x91: {  	v55 =	vshll.u32 v3, $0x2  }
0x92: {  	v3 =	vand.u32 $0x7, v3;
	v4 =	vand.u32 $0xFFFFFFE0, v55  }
0x93: {  	v3 =	vor.u32 v3, v4  }
0x94: {  	v4 =	vperm.xlane v3, v0;
	_ =	sdelay $0x1  }
0x95: {  	v4 =	vadd.s32 v1, v4;
	_ =	sdelay $0x1  }
0x96: {  	v3 =	vperm.xlane v3, v2;
	_ =	sdelay $0x1  }
0x97: {  	s31 =	rddreg [dreg:$0x17];
	v3 =	vadd.s32 v1, v3  }
0x98: {  	[tilespmem:s31], [sflag:$0x1] =	stream.indirect_vreg.gather [hbm4b:s4+s3], $0x80, v4, vm0, $0xb8;
	[tilespmem:$0x1C100] =	vst v63  }
0x99: {  	s29 =	rddreg [dreg:$0x18]  }
0x9a: {  	[tilespmem:s29], [sflag:$0x1] =	stream.indirect_vreg.gather [hbm4b:s6+s3], $0x80, v4, vm0, $0xb8;
	[tilespmem:$0x1C100] =	vst v63  }
0x9b: {  	s30 =	rddreg [dreg:$0x19]  }
0x9c: {  	[tilespmem:s30], [sflag:$0x1] =	stream.indirect_vreg.gather [hbm4b:s4+s3], $0x80, v3, vm0, $0xb8;
	[tilespmem:$0x1C100] =	vst v63  }
0x9d: {  	s31 =	rddreg [dreg:$0x1a]  }
0x9e: {  	[tilespmem:s31], [sflag:$0x1] =	stream.indirect_vreg.gather [hbm4b:s6+s3], $0x80, v3, vm0, $0xb8;
	[tilespmem:$0x1C100] =	vst v63  }
0x9f: {  	v3 =	vld [tilespmem:$0x60];
	_ =	sdelay $0x4  }
0xa0: {  	v56 =	vshll.u32 v3, $0x2  }
0xa1: {  	v3 =	vand.u32 $0x7, v3;
	v4 =	vand.u32 $0xFFFFFFE0, v56  }
0xa2: {  	v3 =	vor.u32 v3, v4  }
0xa3: {  	v4 =	vperm.xlane v3, v0;
	_ =	sdelay $0x1  }
0xa4: {  	v4 =	vadd.s32 v1, v4;
	_ =	sdelay $0x1  }
0xa5: {  	v3 =	vperm.xlane v3, v2;
	_ =	sdelay $0x1  }
0xa6: {  	s29 =	rddreg [dreg:$0x1b];
	v3 =	vadd.s32 v1, v3  }
0xa7: {  	[tilespmem:s29], [sflag:$0x1] =	stream.indirect_vreg.gather [hbm4b:s4+s3], $0x80, v4, vm0, $0xb8;
	[tilespmem:$0x1C100] =	vst v63  }
0xa8: {  	s30 =	rddreg [dreg:$0x1c]  }
0xa9: {  	[tilespmem:s30], [sflag:$0x1] =	stream.indirect_vreg.gather [hbm4b:s6+s3], $0x80, v4, vm0, $0xb8;
	[tilespmem:$0x1C100] =	vst v63  }
0xaa: {  	s31 =	rddreg [dreg:$0x1d]  }
0xab: {  	[tilespmem:s31], [sflag:$0x1] =	stream.indirect_vreg.gather [hbm4b:s4+s3], $0x80, v3, vm0, $0xb8;
	[tilespmem:$0x1C100] =	vst v63  }
0xac: {  	s25 =	smin.u32 s25, $0xC270;
	s26 =	simm.s32 @!p0 $0x4;
	s29 =	rddreg [dreg:$0x1e]  }
0xad: {  	[tilespmem:s29], [sflag:$0x1] =	stream.indirect_vreg.gather [hbm4b:s6+s3], $0x80, v3, vm0, $0xb8;
	[tilespmem:$0x1C100] =	vst v63  }
0xae: {  	s25 =	sadd.s32 $0x70, s25;
	_ =	swait.ge @!p0 [sflag:s26], $0xE000  }
0xaf: {  	s29 =	sshrl.u32 s25, $0x3;
	[sflag:s26] =	ssyncset.done @!p0 $0x0  }
0xb0: {  	s31 =	sadd.s32 s5, s29;
	s30 =	rddreg [dreg:$0x1f];
	[sflag:s26] =	ssyncadd.s32 @!p0 $0xFFFF2000  }
0xb1: {  	[tilespmem:s30], [sflag:$0x5] =	stream.linear.gather [hbm4b:s31+s3], $0x70, $0x38;
	[tilespmem:$0x1C100] =	vst v63  }
0xb2: {  	_ =	swait.ge [sflag:s8], $0x70  }
0xb3: {  	[sflag:s8] =	ssyncset.done $0x0  }
0xb4: {  	[sflag:s8] =	ssyncadd.s32 $0xFFFFFF90  }
0xb5: {  	v3 =	vld [tilespmem:$0x80];
	_ =	sdelay $0x4  }
0xb6: {  	v57 =	vshll.u32 v3, $0x2  }
0xb7: {  	v3 =	vand.u32 $0x7, v3;
	v4 =	vand.u32 $0xFFFFFFE0, v57  }
0xb8: {  	v3 =	vor.u32 v3, v4  }
0xb9: {  	v4 =	vperm.xlane v3, v0;
	_ =	sdelay $0x1  }
0xba: {  	v4 =	vadd.s32 v1, v4;
	_ =	sdelay $0x1  }
0xbb: {  	v3 =	vperm.xlane v3, v2;
	_ =	sdelay $0x1  }
0xbc: {  	s29 =	sld [smem:$0x7EA];
	v3 =	vadd.s32 v1, v3  }
0xbd: {  	[tilespmem:s10], [sflag:$0x2] =	stream.indirect_vreg.gather [hbm4b:s4+s3], $0x80, v4, vm0, $0xb8;
	[tilespmem:$0x1C100] =	vst v63  }
0xbe: {  	s30 =	sld [smem:$0x7EB]  }
0xbf: {  	[tilespmem:s29], [sflag:$0x2] =	stream.indirect_vreg.gather [hbm4b:s6+s3], $0x80, v4, vm0, $0xb8;
	[tilespmem:$0x1C100] =	vst v63  }
0xc0: {  	s31 =	sld [smem:$0x7EC]  }
0xc1: {  	[tilespmem:s30], [sflag:$0x2] =	stream.indirect_vreg.gather [hbm4b:s4+s3], $0x80, v3, vm0, $0xb8;
	[tilespmem:$0x1C100] =	vst v63  }
0xc2: {  	_ = 	snop  }
0xc3: {  	[tilespmem:s31], [sflag:$0x2] =	stream.indirect_vreg.gather [hbm4b:s6+s3], $0x80, v3, vm0, $0xb8;
	[tilespmem:$0x1C100] =	vst v63  }
0xc4: {  	v3 =	vld [tilespmem:$0x90];
	_ =	sdelay $0x4  }
0xc5: {  	v58 =	vshll.u32 v3, $0x2  }
0xc6: {  	v3 =	vand.u32 $0x7, v3;
	v4 =	vand.u32 $0xFFFFFFE0, v58  }
0xc7: {  	v3 =	vor.u32 v3, v4  }
0xc8: {  	v4 =	vperm.xlane v3, v0;
	_ =	sdelay $0x1  }
0xc9: {  	v4 =	vadd.s32 v1, v4;
	_ =	sdelay $0x1  }
0xca: {  	s29 =	sld [smem:$0x7ED];
	v3 =	vperm.xlane v3, v2;
	_ =	sdelay $0x1  }
0xcb: {  	s30 =	sld [smem:$0x7EE];
	v3 =	vadd.s32 v1, v3  }
0xcc: {  	[tilespmem:s29], [sflag:$0x2] =	stream.indirect_vreg.gather [hbm4b:s4+s3], $0x80, v4, vm0, $0xb8;
	[tilespmem:$0x1C100] =	vst v63  }
0xcd: {  	s31 =	sld [smem:$0x7EF]  }
0xce: {  	[tilespmem:s30], [sflag:$0x2] =	stream.indirect_vreg.gather [hbm4b:s6+s3], $0x80, v4, vm0, $0xb8;
	[tilespmem:$0x1C100] =	vst v63  }
0xcf: {  	s29 =	sld [smem:$0x7F0]  }
0xd0: {  	[tilespmem:s31], [sflag:$0x2] =	stream.indirect_vreg.gather [hbm4b:s4+s3], $0x80, v3, vm0, $0xb8;
	[tilespmem:$0x1C100] =	vst v63  }
0xd1: {  	_ = 	snop  }
0xd2: {  	[tilespmem:s29], [sflag:$0x2] =	stream.indirect_vreg.gather [hbm4b:s6+s3], $0x80, v3, vm0, $0xb8;
	[tilespmem:$0x1C100] =	vst v63  }
0xd3: {  	v3 =	vld [tilespmem:$0xA0];
	_ =	sdelay $0x4  }
0xd4: {  	v59 =	vshll.u32 v3, $0x2  }
0xd5: {  	v3 =	vand.u32 $0x7, v3;
	v4 =	vand.u32 $0xFFFFFFE0, v59  }
0xd6: {  	v3 =	vor.u32 v3, v4  }
0xd7: {  	v4 =	vperm.xlane v3, v0;
	_ =	sdelay $0x1  }
0xd8: {  	v4 =	vadd.s32 v1, v4;
	_ =	sdelay $0x1  }
0xd9: {  	s30 =	sld [smem:$0x7F1];
	v3 =	vperm.xlane v3, v2;
	_ =	sdelay $0x1  }
0xda: {  	s31 =	sld [smem:$0x7F2];
	v3 =	vadd.s32 v1, v3  }
0xdb: {  	[tilespmem:s30], [sflag:$0x2] =	stream.indirect_vreg.gather [hbm4b:s4+s3], $0x80, v4, vm0, $0xb8;
	[tilespmem:$0x1C100] =	vst v63  }
0xdc: {  	s29 =	sld [smem:$0x7F3]  }
0xdd: {  	[tilespmem:s31], [sflag:$0x2] =	stream.indirect_vreg.gather [hbm4b:s6+s3], $0x80, v4, vm0, $0xb8;
	[tilespmem:$0x1C100] =	vst v63  }
0xde: {  	s30 =	sld [smem:$0x7F4]  }
0xdf: {  	[tilespmem:s29], [sflag:$0x2] =	stream.indirect_vreg.gather [hbm4b:s4+s3], $0x80, v3, vm0, $0xb8;
	[tilespmem:$0x1C100] =	vst v63  }
0xe0: {  	_ = 	snop  }
0xe1: {  	[tilespmem:s30], [sflag:$0x2] =	stream.indirect_vreg.gather [hbm4b:s6+s3], $0x80, v3, vm0, $0xb8;
	[tilespmem:$0x1C100] =	vst v63  }
0xe2: {  	v3 =	vld [tilespmem:$0xB0];
	_ =	sdelay $0x4  }
0xe3: {  	v60 =	vshll.u32 v3, $0x2  }
0xe4: {  	v3 =	vand.u32 $0x7, v3;
	v4 =	vand.u32 $0xFFFFFFE0, v60  }
0xe5: {  	v3 =	vor.u32 v3, v4  }
0xe6: {  	v4 =	vperm.xlane v3, v0;
	_ =	sdelay $0x1  }
0xe7: {  	v4 =	vadd.s32 v1, v4;
	_ =	sdelay $0x1  }
0xe8: {  	s31 =	sld [smem:$0x7F5];
	v3 =	vperm.xlane v3, v2;
	_ =	sdelay $0x1  }
0xe9: {  	s29 =	sld [smem:$0x7F6];
	v3 =	vadd.s32 v1, v3  }
0xea: {  	[tilespmem:s31], [sflag:$0x2] =	stream.indirect_vreg.gather [hbm4b:s4+s3], $0x80, v4, vm0, $0xb8;
	[tilespmem:$0x1C100] =	vst v63  }
0xeb: {  	s30 =	sld [smem:$0x7F7]  }
0xec: {  	[tilespmem:s29], [sflag:$0x2] =	stream.indirect_vreg.gather [hbm4b:s6+s3], $0x80, v4, vm0, $0xb8;
	[tilespmem:$0x1C100] =	vst v63  }
0xed: {  	s31 =	sld [smem:$0x7F8]  }
0xee: {  	[tilespmem:s30], [sflag:$0x2] =	stream.indirect_vreg.gather [hbm4b:s4+s3], $0x80, v3, vm0, $0xb8;
	[tilespmem:$0x1C100] =	vst v63  }
0xef: {  	_ = 	snop  }
0xf0: {  	[tilespmem:s31], [sflag:$0x2] =	stream.indirect_vreg.gather [hbm4b:s6+s3], $0x80, v3, vm0, $0xb8;
	[tilespmem:$0x1C100] =	vst v63  }
0xf1: {  	v3 =	vld [tilespmem:$0xC0];
	_ =	sdelay $0x4  }
0xf2: {  	v61 =	vshll.u32 v3, $0x2  }
0xf3: {  	v3 =	vand.u32 $0x7, v3;
	v4 =	vand.u32 $0xFFFFFFE0, v61  }
0xf4: {  	v3 =	vor.u32 v3, v4  }
0xf5: {  	v4 =	vperm.xlane v3, v0;
	_ =	sdelay $0x1  }
0xf6: {  	v4 =	vadd.s32 v1, v4;
	_ =	sdelay $0x1  }
0xf7: {  	s29 =	sld [smem:$0x7F9];
	v3 =	vperm.xlane v3, v2;
	_ =	sdelay $0x1  }
0xf8: {  	s30 =	sld [smem:$0x7FA];
	v3 =	vadd.s32 v1, v3  }
0xf9: {  	[tilespmem:s29], [sflag:$0x2] =	stream.indirect_vreg.gather [hbm4b:s4+s3], $0x80, v4, vm0, $0xb8;
	[tilespmem:$0x1C100] =	vst v63  }
0xfa: {  	s31 =	sld [smem:$0x7FB]  }
0xfb: {  	[tilespmem:s30], [sflag:$0x2] =	stream.indirect_vreg.gather [hbm4b:s6+s3], $0x80, v4, vm0, $0xb8;
	[tilespmem:$0x1C100] =	vst v63  }
0xfc: {  	s29 =	sld [smem:$0x7FC]  }
0xfd: {  	[tilespmem:s31], [sflag:$0x2] =	stream.indirect_vreg.gather [hbm4b:s4+s3], $0x80, v3, vm0, $0xb8;
	[tilespmem:$0x1C100] =	vst v63  }
0xfe: {  	_ = 	snop  }
0xff: {  	[tilespmem:s29], [sflag:$0x2] =	stream.indirect_vreg.gather [hbm4b:s6+s3], $0x80, v3, vm0, $0xb8;
	[tilespmem:$0x1C100] =	vst v63  }
0x100: {  	v3 =	vld [tilespmem:$0xD0];
	_ =	sdelay $0x4  }
0x101: {  	v62 =	vshll.u32 v3, $0x2  }
0x102: {  	v3 =	vand.u32 $0x7, v3;
	v4 =	vand.u32 $0xFFFFFFE0, v62  }
0x103: {  	v3 =	vor.u32 v3, v4  }
0x104: {  	v4 =	vperm.xlane v3, v0;
	_ =	sdelay $0x1  }
0x105: {  	v4 =	vadd.s32 v1, v4;
	_ =	sdelay $0x1  }
0x106: {  	s30 =	sld [smem:$0x7FD];
	v3 =	vperm.xlane v3, v2;
	_ =	sdelay $0x1  }
0x107: {  	v3 =	vadd.s32 v1, v3  }
0x108: {  	[tilespmem:s30], [sflag:$0x2] =	stream.indirect_vreg.gather [hbm4b:s4+s3], $0x80, v4, vm0, $0xb8;
	[tilespmem:$0x1C100] =	vst v63  }
0x109: {  	_ = 	snop  }
0x10a: {  	[tilespmem:s11], [sflag:$0x2] =	stream.indirect_vreg.gather [hbm4b:s6+s3], $0x80, v4, vm0, $0xb8;
	[tilespmem:$0x1C100] =	vst v63  }
0x10b: {  	_ = 	snop  }
0x10c: {  	[tilespmem:s12], [sflag:$0x2] =	stream.indirect_vreg.gather [hbm4b:s4+s3], $0x80, v3, vm0, $0xb8;
	[tilespmem:$0x1C100] =	vst v63  }
0x10d: {  	_ = 	snop  }
0x10e: {  	[tilespmem:s13], [sflag:$0x2] =	stream.indirect_vreg.gather [hbm4b:s6+s3], $0x80, v3, vm0, $0xb8;
	[tilespmem:$0x1C100] =	vst v63  }
0x10f: {  	v3 =	vld [tilespmem:$0xE0];
	_ =	sdelay $0x4  }
0x110: {  	v63 =	vshll.u32 v3, $0x2  }
0x111: {  	v3 =	vand.u32 $0x7, v3;
	v4 =	vand.u32 $0xFFFFFFE0, v63  }
0x112: {  	v3 =	vor.u32 v3, v4  }
0x113: {  	v4 =	vperm.xlane v3, v0;
	_ =	sdelay $0x1  }
0x114: {  	v4 =	vadd.s32 v1, v4;
	_ =	sdelay $0x1  }
0x115: {  	v3 =	vperm.xlane v3, v2;
	_ =	sdelay $0x1  }
0x116: {  	v3 =	vadd.s32 v1, v3  }
0x117: {  	[tilespmem:s14], [sflag:$0x2] =	stream.indirect_vreg.gather [hbm4b:s4+s3], $0x80, v4, vm0, $0xb8;
	[tilespmem:$0x1C100] =	vst v63  }
0x118: {  	_ = 	snop  }
0x119: {  	[tilespmem:s15], [sflag:$0x2] =	stream.indirect_vreg.gather [hbm4b:s6+s3], $0x80, v4, vm0, $0xb8;
	[tilespmem:$0x1C100] =	vst v63  }
0x11a: {  	_ = 	snop  }
0x11b: {  	[tilespmem:s16], [sflag:$0x2] =	stream.indirect_vreg.gather [hbm4b:s4+s3], $0x80, v3, vm0, $0xb8;
	[tilespmem:$0x1C100] =	vst v63  }
0x11c: {  	_ = 	snop  }
0x11d: {  	[tilespmem:s17], [sflag:$0x2] =	stream.indirect_vreg.gather [hbm4b:s6+s3], $0x80, v3, vm0, $0xb8;
	[tilespmem:$0x1C100] =	vst v63  }
0x11e: {  	_ =	swait.ge [sflag:s18], $0xE000  }
0x11f: {  	s23 =	sadd.s32 $0xE0, s23;
	s24 =	sshll.u32 s24, $0x6;
	[sflag:s18] =	ssyncset.done $0x0  }
0x120: {  	s24 =	sadd.s32 s2, s24;
	p0 =	sne.s32 s23, $0x620;
	[sflag:s18] =	ssyncadd.s32 $0xFFFF2000  }
0x121: {  	[hbm4b:s24+s3] =	stream.linear.scatter [tilespmem:s9], [sflag:$0x3], $0xE000, $0x38;
	[tilespmem:$0x1C100] =	vst v63  }
.Ltmp0:
0x122: {  	_ = 	snop;
	(pc) =	sbr.rel @p0 .LBB2_2-.Ltmp0, $4  }
0x123: {  	_ =	swait.ge [sflag:s19], $0xE000  }
0x124: {  	s31 =	sshll.u32 s25, $0x6;
	[sflag:s19] =	ssyncset.done $0x0  }
0x125: {  	s24 =	sadd.s32 s2, s31;
	[sflag:s19] =	ssyncadd.s32 $0xFFFF2000  }
0x126: {  	[hbm4b:s24+s3] =	stream.linear.scatter [tilespmem:s10], [sflag:$0x4], $0xE000, $0x38;
	[tilespmem:$0x1C100] =	vst v63  }
0x127: {  	s22 =	sadd.s32 $0x1, s22  }
0x128: {  	_ =	swait.ge [sflag:s20], $0xE000;
	p0 =	sne.s32 s22, s7  }
.Ltmp1:
0x129: {  	[sflag:s20] =	ssyncset.done $0x0;
	(pc) =	sbr.rel @p0 .LBB2_1-.Ltmp1, $4  }
0x12a: {  	[sflag:s20] =	ssyncadd.s32 $0xFFFF2000  }
0x12b: {  	_ =	swait.ge [sflag:s21], $0xE000  }
0x12c: {  	[sflag:s21] =	ssyncset.done $0x0  }
0x12d: {  	[sflag:s21] =	ssyncadd.s32 $0xFFFF2000  }
0x12e: {  	_ =	sfence.sel $0x180000  }
0x12f: {  	[bflag:$0x0] =	sbarrier.arrive $0xFFFF  }
0x130: {  	p0 =	sne.s32 s0, $0x0;
	_ =	strace $0x9000004A  }
0x131: {  	s0 =	sadd.s32 @!p0 $0x100000, s1;
	[bflag:$0x2] =	sbarrier.arrive $0xFFFF  }
0x132: {  	[sflag:s0] =	ssyncadd.tile.s32 @!p0 $0x1;
	_ =	shalt  }
.Lfunc_end2:
_tile_overlayer_lowered:
.L_overlay_start_2:
0x133: {  	(tag) =	ssettag $0x2  }
0x134: {  	s0 =	rddreg [dreg:$0x0];
	s2 =	stileid.u32  }
0x135: {  	s1 =	rddreg [dreg:$0x1];
	p0 =	sne.s32 s2, $0x0  }
0x136: {  	s3 =	rddreg [dreg:$0x2];
	[bflag:$0x3] =	sbarrier.arrive $0xFFFF;
	s2 =	simm.s32 @!p0 $0x1C05  }
0x137: {  	[timem:s3], [sflag:s2] =	dma.local @!p0 [hbm:s0], s1  }
0x138: {  	s0 =	simm.s32 @!p0 $0x5  }
0x139: {  	_ =	swait.ge @!p0 [sflag:s0], s1  }
0x13a: {  	s1 =	ssub.s32 @!p0 $0x0, s1;
	[sflag:s0] =	ssyncset.done @!p0 $0x0  }
0x13b: {  	[sflag:s0] =	ssyncadd.s32 @!p0 s1  }
0x13c: {  	[bflag:$0x3] =	sbarrier.arrive $0xFFFF  }
0x13d: {  	_ =	shalt  }

</sc_bundles>
